<compile_context>
chip_gen: v7x
topology: tpu7x:2x2x1
jax: 0.10.2.dev20260603
libtpu: 0.0.44.dev20260713+nightly
codegen_flags: <defaults>
</compile_context>

<pallas_src>
import functools

import jax
import jax.numpy as jnp
from jax import lax
from jax.experimental import pallas as pl
from jax.experimental.pallas import tpu as pltpu
from jax.experimental.pallas import tpu_sc as plsc

N = 10000
E = 320000
C = 128
NC = 2
NS = 16
NW = NC * NS
CH = 128
EPW = E // NW
P = 3
CPA = 13
CPB = 13
ER = EPW - P * (CPA + CPB) * CH
NPAD = 10112
RPT = NPAD // NS
CH_H = 80
NCH_H = 125
NPAD_H = 10240
RPT_H = NPAD_H // NS

_mesh = plsc.VectorSubcoreMesh(core_axis_name="c", subcore_axis_name="s")



@functools.partial(
    pl.kernel,
    out_type=jax.ShapeDtypeStruct((NC, NPAD_H), jnp.float32),
    mesh=_mesh,
    scratch_types=[
        pltpu.VMEM((NCH_H, CH_H), jnp.int32),
        pltpu.VMEM((CH_H,), jnp.float32),
        pltpu.VMEM((RPT_H,), jnp.float32),
        pltpu.VMEM_SHARED((NPAD_H,), jnp.float32),
        pltpu.SemaphoreType.DMA,
    ],
)
def _sc_hist(dst_hbm, deg_hbm, idx_v, ones_v, zb_v, deg_sh, sem):
    c = lax.axis_index("c")
    s = lax.axis_index("s")
    wid = c * NS + s
    for i in range(CH_H // 16):
        ones_v[pl.ds(16 * i, 16)] = jnp.ones((16,), jnp.float32)

    def zinit(j, carry):
        zb_v[pl.ds(j * 16, 16)] = jnp.zeros((16,), jnp.float32)
        return carry

    lax.fori_loop(0, RPT_H // 16, zinit, 0)
    pltpu.sync_copy(zb_v, deg_sh.at[pl.ds(s * RPT_H, RPT_H)])
    plsc.subcore_barrier()
    pltpu.sync_copy(dst_hbm.at[wid], idx_v)

    def fire(j, carry):
        pltpu.async_copy(ones_v, deg_sh.at[idx_v.at[j]], sem, add=True)
        return carry

    lax.fori_loop(0, NCH_H, fire, 0)

    def drain(j, carry):
        pltpu.make_async_copy(ones_v, deg_sh.at[idx_v.at[0]], sem).wait()
        return carry

    lax.fori_loop(0, NCH_H, drain, 0)
    plsc.subcore_barrier()
    pltpu.sync_copy(deg_sh.at[pl.ds(s * RPT_H, RPT_H)],
                    deg_hbm.at[c, pl.ds(s * RPT_H, RPT_H)])



@functools.partial(
    pl.kernel,
    out_type=jax.ShapeDtypeStruct((NC, NPAD, C), jnp.float32),
    mesh=_mesh,
    scratch_types=[
        pltpu.VMEM((2, CPA, CH), jnp.int32),
        pltpu.VMEM((2, CPA, CH), jnp.int32),
        pltpu.VMEM((2, CH, C), jnp.float32),
        pltpu.VMEM((ER,), jnp.int32),
        pltpu.VMEM((ER,), jnp.int32),
        pltpu.VMEM_SHARED((NPAD, C), jnp.float32),
        pltpu.SemaphoreType.DMA,
        pltpu.SemaphoreType.DMA,
        pltpu.SemaphoreType.DMA,
        pltpu.SemaphoreType.DMA,
    ],
)
def _sc_scatter(y_hbm, src_hbm, dst_hbm, srce_hbm, dste_hbm, ap_hbm,
                src_v, dst_v, stg_v, se_v, de_v, a_sh,
                gs_a, gs_b, ss_a, ss_b):
    c = lax.axis_index("c")
    s = lax.axis_index("s")
    wid = c * NS + s

    def zinit(j, carry):
        for k in range(C // 16):
            stg_v[0, j, pl.ds(16 * k, 16)] = jnp.zeros((16,), jnp.float32)
        return carry

    lax.fori_loop(0, CH, zinit, 0)
    for k in range(RPT // CH):
        pltpu.sync_copy(stg_v.at[0], a_sh.at[pl.ds(s * RPT + k * CH, CH)])
    rem = RPT - (RPT // CH) * CH
    pltpu.sync_copy(stg_v.at[0, pl.ds(0, rem)],
                    a_sh.at[pl.ds(s * RPT + (RPT // CH) * CH, rem)])
    plsc.subcore_barrier()

    for p in range(P):
        pltpu.sync_copy(src_hbm.at[wid, p], src_v)
        pltpu.sync_copy(dst_hbm.at[wid, p], dst_v)
        pltpu.async_copy(y_hbm.at[src_v.at[0, 0]], stg_v.at[0], gs_a)
        pltpu.async_copy(y_hbm.at[src_v.at[1, 0]], stg_v.at[1], gs_b)

        def body(i, carry):
            for b, n_ch, gs, ss in ((0, CPA, gs_a, ss_a),
                                    (1, CPB, gs_b, ss_b)):
                @pl.when(i < n_ch)
                def _():
                    pltpu.make_async_copy(
                        y_hbm.at[pl.ds(0, CH)], stg_v.at[b], gs).wait()
                    pltpu.async_copy(
                        stg_v.at[b], a_sh.at[dst_v.at[b, i]], ss, add=True)
                    pltpu.make_async_copy(
                        y_hbm.at[pl.ds(0, CH)], stg_v.at[b], ss).wait()

                    @pl.when(i + 1 < n_ch)
                    def _():
                        pltpu.async_copy(y_hbm.at[src_v.at[b, i + 1]],
                                         stg_v.at[b], gs)

            return carry

        lax.fori_loop(0, CPA, body, 0)

    pltpu.sync_copy(srce_hbm.at[wid], se_v)
    pltpu.sync_copy(dste_hbm.at[wid], de_v)
    pltpu.async_copy(y_hbm.at[se_v], stg_v.at[0, pl.ds(0, ER)], gs_a).wait()
    pltpu.sync_copy(stg_v.at[0, pl.ds(0, ER)], a_sh.at[de_v], add=True)
    plsc.subcore_barrier()
    pltpu.sync_copy(a_sh.at[pl.ds(s * RPT, RPT)],
                    ap_hbm.at[c, pl.ds(s * RPT, RPT)])



def _scale_body(deg_ref, xx_ref, y_ref):
    deg = deg_ref[:, 0:1] + deg_ref[:, 1:2] + 1.0
    y_ref[...] = xx_ref[...] * lax.rsqrt(deg)


def _tc_scale(xx, degt):
    rb = 1000
    return pl.pallas_call(
        _scale_body,
        grid=(N // rb,),
        in_specs=[
            pl.BlockSpec((rb, NC), lambda i: (i, 0)),
            pl.BlockSpec((rb, C), lambda i: (i, 0)),
        ],
        out_specs=pl.BlockSpec((rb, C), lambda i: (i, 0)),
        out_shape=jax.ShapeDtypeStruct((N, C), jnp.float32),
    )(degt, xx)



def _dense_body(ap_ref, y_ref, xx_ref, deg_ref, w_ref, w1_ref, b1_ref,
                w2_ref, b2_ref, out_ref):
    deg = deg_ref[:, 0:1] + deg_ref[:, 1:2] + 1.0
    dinv = lax.rsqrt(deg)
    a = (ap_ref[0] + ap_ref[1] + y_ref[...]) * dinv
    ww1 = jnp.dot(w_ref[...], w1_ref[...], preferred_element_type=jnp.float32)
    h = jnp.maximum(
        jnp.dot(a, ww1, preferred_element_type=jnp.float32) + b1_ref[...], 0.0)
    up = jnp.dot(h, w2_ref[...], preferred_element_type=jnp.float32) + b2_ref[...]
    out_ref[...] = xx_ref[...] + up


def _tc_dense(ap, y, xx, degt, W, W1, b1, W2, b2):
    rb = 1000
    return pl.pallas_call(
        _dense_body,
        grid=(N // rb,),
        in_specs=[
            pl.BlockSpec((NC, rb, C), lambda i: (0, i, 0)),
            pl.BlockSpec((rb, C), lambda i: (i, 0)),
            pl.BlockSpec((rb, C), lambda i: (i, 0)),
            pl.BlockSpec((rb, NC), lambda i: (i, 0)),
            pl.BlockSpec((C, 3 * C), lambda i: (0, 0)),
            pl.BlockSpec((3 * C, 32), lambda i: (0, 0)),
            pl.BlockSpec((1, 32), lambda i: (0, 0)),
            pl.BlockSpec((32, C), lambda i: (0, 0)),
            pl.BlockSpec((1, C), lambda i: (0, 0)),
        ],
        out_specs=pl.BlockSpec((rb, C), lambda i: (i, 0)),
        out_shape=jax.ShapeDtypeStruct((N, C), jnp.float32),
    )(ap, y, xx, degt, W, W1, b1, W2, b2)


def kernel(xx, edge_index, parent_index, W, W1, b1, W2, b2):
    ei = edge_index.astype(jnp.int32)

    nfull = P * (CPA + CPB) * CH

    def _arrange(flat):
        e = flat.reshape(NW, EPW)
        full = e[:, :nfull].reshape(NW, P, 2, CPA, CH)
        return full, e[:, nfull:]

    src_r, src_e = _arrange(ei[0])
    dst_r, dst_e = _arrange(ei[1])
    degp = _sc_hist(ei[1].reshape(NW, NCH_H, CH_H))
    degt = degp.T
    y = _tc_scale(xx, degt)
    ap = _sc_scatter(y, src_r, dst_r, src_e, dst_e)
    return _tc_dense(ap, y, xx, degt, W, W1,
                     b1.reshape(1, -1), W2, b2.reshape(1, -1))

# --- scband reference (transcript-rebuilt; emitter-appended) ---
"""Pipeline reference for scband-graph-nca-67061619360163 (READ-ONLY COPY).

The authoritative reference and input builder live on the scoring server;
editing this copy changes nothing except your own understanding.
"""

import jax, jax.numpy as jnp
import numpy as np

N_NODES = 10000
N_EDGES = 320000
C = 128


def setup_inputs(seed: int = 0) -> dict:
    key = jax.random.key(seed)
    k1, k2, k3, k4, k5, k6, k7 = jax.random.split(key, 7)
    xx = jax.random.normal(k1, (N_NODES, C), dtype=jnp.float32)
    edge_index = jax.random.randint(k2, (2, N_EDGES), 0, N_NODES, dtype=jnp.int64)
    parent_index = 0
    # GCNConv lin weight (no bias): [in, out] = [C, 3C]
    W = jax.random.normal(k3, (C, 3 * C), dtype=jnp.float32) * (1.0 / np.sqrt(C))
    # update_net: Linear(3C, 32) -> ReLU -> Linear(32, C)
    W1 = jax.random.normal(k4, (3 * C, 32), dtype=jnp.float32) * (1.0 / np.sqrt(3 * C))
    b1 = jax.random.normal(k5, (32,), dtype=jnp.float32) * 0.01
    W2 = jax.random.normal(k6, (32, C), dtype=jnp.float32) * (1.0 / np.sqrt(32))
    b2 = jax.random.normal(k7, (C,), dtype=jnp.float32) * 0.01
    return {"xx": xx, "edge_index": edge_index, "parent_index": parent_index,
            "W": W, "W1": W1, "b1": b1, "W2": W2, "b2": b2}


def _gcn_conv(x, edge_index, W, n_nodes):
    # GCNConv with add_self_loops=True, normalize=True, bias=False
    xw = x @ W
    src = edge_index[0]
    dst = edge_index[1]
    loop = jnp.arange(n_nodes, dtype=src.dtype)
    src = jnp.concatenate([src, loop])
    dst = jnp.concatenate([dst, loop])
    ones = jnp.ones(src.shape[0], dtype=xw.dtype)
    deg = jax.ops.segment_sum(ones, dst, num_segments=n_nodes)
    dinv = jnp.where(deg > 0, 1.0 / jnp.sqrt(deg), 0.0)
    norm = dinv[src] * dinv[dst]
    msg = xw[src] * norm[:, None]
    return jax.ops.segment_sum(msg, dst, num_segments=n_nodes)


def reference(xx, edge_index, parent_index, W, W1, b1, W2, b2):
    n_nodes = xx.shape[0]
    features = _gcn_conv(xx, edge_index, W, n_nodes)
    h = jnp.maximum(features @ W1 + b1, 0.0)
    update = h @ W2 + b2
    out = xx + update
    return out

if __name__ == "__main__":
    import jax
    _d = setup_inputs()
    print(jax.jit(kernel)(*tuple(_d.values())))

</pallas_src>

<mosaic_0001>
#map = affine_map<(d0, d1) -> (0, 0, 0)>
#map1 = affine_map<(d0, d1) -> (0, 0)>
module attributes {stable_mosaic.version = 14 : i64} {
  func.func @_sc_hist(%arg0: i32, %arg1: i32, %arg2: memref<32x125x80xi32, #tpu.memory_space<hbm>>, %arg3: memref<2x10240xf32, #tpu.memory_space<hbm>>, %arg4: memref<125x80xi32, #tpu.memory_space<vmem>>, %arg5: memref<80xf32, #tpu.memory_space<vmem>>, %arg6: memref<640xf32, #tpu.memory_space<vmem>>, %arg7: memref<10240xf32, #tpu.memory_space<vmem_shared>>, %arg8: memref<!tpu.dma_semaphore, #tpu.memory_space<semaphore_mem>>) attributes {dimension_semantics = [#tpu.dimension_semantics<core_parallel>, #tpu.dimension_semantics<subcore_parallel>], iteration_bounds = array<i64: 2, 16>, scalar_prefetch = 0 : i64, scratch_operands = 5 : i64, tpu.core_type = #tpu.core_type<sc_vector_subcore>, window_params = [{transform_indices = #map}, {transform_indices = #map1}]} {
    %mul3A = arith.constant 16 : i32
    %mul3A_0 = arith.muli %arg0, %mul3A : i32
    %add3A = arith.addi %mul3A_0, %arg1 : i32
    %broadcast_in_dim3A = arith.constant 1.000000e+00 : f32
    %broadcast_in_dim3A_1 = vector.broadcast %broadcast_in_dim3A : f32 to vector<16xf32>
    %swap3A = arith.constant 0 : index
    %swap3A_2 = tpu.vector_load %arg5[%swap3A] {strides = array<i32>} : memref<80xf32, #tpu.memory_space<vmem>>, vector<16xf32>,
    %swap3A_3 = vector.shape_cast %swap3A_2 : vector<16xf32> to vector<16xf32>
    %swap3A_4 = vector.shape_cast %broadcast_in_dim3A_1 : vector<16xf32> to vector<16xf32>
    tpu.vector_store %arg5[%swap3A], %swap3A_4 {strides = array<i32>} : memref<80xf32, #tpu.memory_space<vmem>>, vector<16xf32>,
    %broadcast_in_dim3A_5 = arith.constant 1.000000e+00 : f32
    %broadcast_in_dim3A_6 = vector.broadcast %broadcast_in_dim3A_5 : f32 to vector<16xf32>
    %swap3A_7 = arith.constant 16 : index
    %swap3A_8 = tpu.vector_load %arg5[%swap3A_7] {strides = array<i32>} : memref<80xf32, #tpu.memory_space<vmem>>, vector<16xf32>,
    %swap3A_9 = vector.shape_cast %swap3A_8 : vector<16xf32> to vector<16xf32>
    %swap3A_10 = vector.shape_cast %broadcast_in_dim3A_6 : vector<16xf32> to vector<16xf32>
    tpu.vector_store %arg5[%swap3A_7], %swap3A_10 {strides = array<i32>} : memref<80xf32, #tpu.memory_space<vmem>>, vector<16xf32>,
    %broadcast_in_dim3A_11 = arith.constant 1.000000e+00 : f32
    %broadcast_in_dim3A_12 = vector.broadcast %broadcast_in_dim3A_11 : f32 to vector<16xf32>
    %swap3A_13 = arith.constant 32 : index
    %swap3A_14 = tpu.vector_load %arg5[%swap3A_13] {strides = array<i32>} : memref<80xf32, #tpu.memory_space<vmem>>, vector<16xf32>,
    %swap3A_15 = vector.shape_cast %swap3A_14 : vector<16xf32> to vector<16xf32>
    %swap3A_16 = vector.shape_cast %broadcast_in_dim3A_12 : vector<16xf32> to vector<16xf32>
    tpu.vector_store %arg5[%swap3A_13], %swap3A_16 {strides = array<i32>} : memref<80xf32, #tpu.memory_space<vmem>>, vector<16xf32>,
    %broadcast_in_dim3A_17 = arith.constant 1.000000e+00 : f32
    %broadcast_in_dim3A_18 = vector.broadcast %broadcast_in_dim3A_17 : f32 to vector<16xf32>
    %swap3A_19 = arith.constant 48 : index
    %swap3A_20 = tpu.vector_load %arg5[%swap3A_19] {strides = array<i32>} : memref<80xf32, #tpu.memory_space<vmem>>, vector<16xf32>,
    %swap3A_21 = vector.shape_cast %swap3A_20 : vector<16xf32> to vector<16xf32>
    %swap3A_22 = vector.shape_cast %broadcast_in_dim3A_18 : vector<16xf32> to vector<16xf32>
    tpu.vector_store %arg5[%swap3A_19], %swap3A_22 {strides = array<i32>} : memref<80xf32, #tpu.memory_space<vmem>>, vector<16xf32>,
    %broadcast_in_dim3A_23 = arith.constant 1.000000e+00 : f32
    %broadcast_in_dim3A_24 = vector.broadcast %broadcast_in_dim3A_23 : f32 to vector<16xf32>
    %swap3A_25 = arith.constant 64 : index
    %swap3A_26 = tpu.vector_load %arg5[%swap3A_25] {strides = array<i32>} : memref<80xf32, #tpu.memory_space<vmem>>, vector<16xf32>,
    %swap3A_27 = vector.shape_cast %swap3A_26 : vector<16xf32> to vector<16xf32>
    %swap3A_28 = vector.shape_cast %broadcast_in_dim3A_24 : vector<16xf32> to vector<16xf32>
    tpu.vector_store %arg5[%swap3A_25], %swap3A_28 {strides = array<i32>} : memref<80xf32, #tpu.memory_space<vmem>>, vector<16xf32>,
    %scan3A = arith.constant 0 : i32
    %scan3A_29 = arith.constant 0 : i32
    %scan3A_30 = arith.constant 40 : i32
    %scan3A_31 = arith.addi %scan3A_29, %scan3A_30 : i32
    %scan3A_32 = arith.constant 1 : i32
    scf.for %scan3A_53 = %scan3A_29 to %scan3A_31 step %scan3A_32  : i32 {
      %broadcast_in_dim3A_54 = arith.constant 0.000000e+00 : f32
      %broadcast_in_dim3A_55 = vector.broadcast %broadcast_in_dim3A_54 : f32 to vector<16xf32>
      %mul3A_56 = arith.constant 16 : i32
      %mul3A_57 = arith.muli %scan3A_53, %mul3A_56 : i32
      %swap3A_58 = arith.index_cast %mul3A_57 : i32 to index
      %swap3A_59 = tpu.vector_load %arg6[%swap3A_58] {strides = array<i32>} : memref<640xf32, #tpu.memory_space<vmem>>, vector<16xf32>,
      %swap3A_60 = vector.shape_cast %swap3A_59 : vector<16xf32> to vector<16xf32>
      %swap3A_61 = vector.shape_cast %broadcast_in_dim3A_55 : vector<16xf32> to vector<16xf32>
      tpu.vector_store %arg6[%swap3A_58], %swap3A_61 {strides = array<i32>} : memref<640xf32, #tpu.memory_space<vmem>>, vector<16xf32>,
    }
    %scan3A_33 = arith.constant 40 : i32
    %mul3A_34 = arith.constant 640 : i32
    %mul3A_35 = arith.muli %arg1, %mul3A_34 : i32
    "tpu.region"() ({
      %run_scoped3A = tpu.sem_alloc : memref<!tpu.dma_semaphore, #tpu.memory_space<semaphore_mem>>
      %dma_start3A = tpu.memref_slice %arg7[%mul3A_35] : memref<10240xf32, #tpu.memory_space<vmem_shared>> -> memref<640xf32, #tpu.memory_space<vmem_shared>>
      %dma_start3A_53 = tpu.memref_slice %arg7[%mul3A_35] : memref<10240xf32, #tpu.memory_space<vmem_shared>> -> memref<640xf32, #tpu.memory_space<vmem_shared>>
      tpu.enqueue_dma source(%arg6 : memref<640xf32, #tpu.memory_space<vmem>>) target(%dma_start3A_53 : memref<640xf32, #tpu.memory_space<vmem_shared>>) target_semaphore(%run_scoped3A : memref<!tpu.dma_semaphore, #tpu.memory_space<semaphore_mem>>)
      %dma_wait3A = tpu.memref_slice %arg7[%mul3A_35] : memref<10240xf32, #tpu.memory_space<vmem_shared>> -> memref<640xf32, #tpu.memory_space<vmem_shared>>
      %dma_wait3A_54 = tpu.memref_slice %arg7[%mul3A_35] : memref<10240xf32, #tpu.memory_space<vmem_shared>> -> memref<640xf32, #tpu.memory_space<vmem_shared>>
      tpu.wait_dma2 semaphore(%run_scoped3A : memref<!tpu.dma_semaphore, #tpu.memory_space<semaphore_mem>>) src(%arg6 : memref<640xf32, #tpu.memory_space<vmem>>) dst(%dma_wait3A_54 : memref<640xf32, #tpu.memory_space<vmem_shared>>)
      tpu.yield
    }) : () -> ()
    %barrier3A = arith.constant 0 : index
    tpu.barrier barrier_id(%barrier3A)
    "tpu.region"() ({
      %run_scoped3A = tpu.sem_alloc : memref<!tpu.dma_semaphore, #tpu.memory_space<semaphore_mem>>
      %dma_start3A = arith.constant 0 : i32
      %dma_start3A_53 = arith.constant 0 : i32
      %dma_start3A_54 = tpu.memref_slice %arg2[%add3A, %dma_start3A, %dma_start3A_53] : memref<32x125x80xi32, #tpu.memory_space<hbm>> -> memref<1x125x80xi32, #tpu.memory_space<hbm>>
      %dma_start3A_55 = tpu.memref_squeeze %dma_start3A_54 : memref<1x125x80xi32, #tpu.memory_space<hbm>> -> memref<125x80xi32, #tpu.memory_space<hbm>>
      %dma_start3A_56 = arith.constant 0 : i32
      %dma_start3A_57 = arith.constant 0 : i32
      %dma_start3A_58 = tpu.memref_slice %arg2[%add3A, %dma_start3A_56, %dma_start3A_57] : memref<32x125x80xi32, #tpu.memory_space<hbm>> -> memref<1x125x80xi32, #tpu.memory_space<hbm>>
      %dma_start3A_59 = tpu.memref_squeeze %dma_start3A_58 : memref<1x125x80xi32, #tpu.memory_space<hbm>> -> memref<125x80xi32, #tpu.memory_space<hbm>>
      tpu.enqueue_dma source(%dma_start3A_59 : memref<125x80xi32, #tpu.memory_space<hbm>>) target(%arg4 : memref<125x80xi32, #tpu.memory_space<vmem>>) target_semaphore(%run_scoped3A : memref<!tpu.dma_semaphore, #tpu.memory_space<semaphore_mem>>)
      %dma_wait3A = arith.constant 0 : i32
      %dma_wait3A_60 = arith.constant 0 : i32
      %dma_wait3A_61 = tpu.memref_slice %arg2[%add3A, %dma_wait3A, %dma_wait3A_60] : memref<32x125x80xi32, #tpu.memory_space<hbm>> -> memref<1x125x80xi32, #tpu.memory_space<hbm>>
      %dma_wait3A_62 = tpu.memref_squeeze %dma_wait3A_61 : memref<1x125x80xi32, #tpu.memory_space<hbm>> -> memref<125x80xi32, #tpu.memory_space<hbm>>
      %dma_wait3A_63 = arith.constant 0 : i32
      %dma_wait3A_64 = arith.constant 0 : i32
      %dma_wait3A_65 = tpu.memref_slice %arg2[%add3A, %dma_wait3A_63, %dma_wait3A_64] : memref<32x125x80xi32, #tpu.memory_space<hbm>> -> memref<1x125x80xi32, #tpu.memory_space<hbm>>
      %dma_wait3A_66 = tpu.memref_squeeze %dma_wait3A_65 : memref<1x125x80xi32, #tpu.memory_space<hbm>> -> memref<125x80xi32, #tpu.memory_space<hbm>>
      tpu.wait_dma2 semaphore(%run_scoped3A : memref<!tpu.dma_semaphore, #tpu.memory_space<semaphore_mem>>) src(%dma_wait3A_66 : memref<125x80xi32, #tpu.memory_space<hbm>>) dst(%arg4 : memref<125x80xi32, #tpu.memory_space<vmem>>)
      tpu.yield
    }) : () -> ()
    %scan3A_36 = arith.constant 0 : i32
    %scan3A_37 = arith.constant 0 : i32
    %scan3A_38 = arith.constant 125 : i32
    %scan3A_39 = arith.addi %scan3A_37, %scan3A_38 : i32
    %scan3A_40 = arith.constant 1 : i32
    scf.for %scan3A_53 = %scan3A_37 to %scan3A_39 step %scan3A_40  : i32 {
      %dma_start3A = arith.constant 0 : i32
      %dma_start3A_54 = tpu.memref_slice %arg4[%scan3A_53, %dma_start3A] : memref<125x80xi32, #tpu.memory_space<vmem>> -> memref<1x80xi32, #tpu.memory_space<vmem>>
      %dma_start3A_55 = tpu.memref_squeeze %dma_start3A_54 : memref<1x80xi32, #tpu.memory_space<vmem>> -> memref<80xi32, #tpu.memory_space<vmem>>
      %dma_start3A_56 = arith.constant 0 : i32
      %dma_start3A_57 = tpu.memref_slice %arg7[%dma_start3A_56] : memref<10240xf32, #tpu.memory_space<vmem_shared>> -> memref<10240xf32, #tpu.memory_space<vmem_shared>>
      tpu.enqueue_indirect_dma source(%arg5 : memref<80xf32, #tpu.memory_space<vmem>>) target(%dma_start3A_57 : memref<10240xf32, #tpu.memory_space<vmem_shared>>) offsets(%dma_start3A_55 : memref<80xi32, #tpu.memory_space<vmem>>) semaphore(%arg8 : memref<!tpu.dma_semaphore, #tpu.memory_space<semaphore_mem>>) {add = true}
    }
    %scan3A_41 = arith.constant 125 : i32
    %scan3A_42 = arith.constant 0 : i32
    %scan3A_43 = arith.constant 0 : i32
    %scan3A_44 = arith.constant 125 : i32
    %scan3A_45 = arith.addi %scan3A_43, %scan3A_44 : i32
    %scan3A_46 = arith.constant 1 : i32
    scf.for %scan3A_53 = %scan3A_43 to %scan3A_45 step %scan3A_46  : i32 {
      %dma_wait3A = arith.constant 0 : i32
      %dma_wait3A_54 = arith.constant 0 : i32
      %dma_wait3A_55 = tpu.memref_slice %arg4[%dma_wait3A, %dma_wait3A_54] : memref<125x80xi32, #tpu.memory_space<vmem>> -> memref<1x80xi32, #tpu.memory_space<vmem>>
      %dma_wait3A_56 = tpu.memref_squeeze %dma_wait3A_55 : memref<1x80xi32, #tpu.memory_space<vmem>> -> memref<80xi32, #tpu.memory_space<vmem>>
      %dma_wait3A_57 = arith.constant 0 : i32
      %dma_wait3A_58 = tpu.memref_slice %arg7[%dma_wait3A_57] : memref<10240xf32, #tpu.memory_space<vmem_shared>> -> memref<10240xf32, #tpu.memory_space<vmem_shared>>
      tpu.wait_indirect_dma semaphore(%arg8 : memref<!tpu.dma_semaphore, #tpu.memory_space<semaphore_mem>>) src(%arg5 : memref<80xf32, #tpu.memory_space<vmem>>) dst(%dma_wait3A_58 : memref<10240xf32, #tpu.memory_space<vmem_shared>>)
    }
    %scan3A_47 = arith.constant 125 : i32
    %barrier3A_48 = arith.constant 0 : index
    tpu.barrier barrier_id(%barrier3A_48)
    %mul3A_49 = arith.constant 640 : i32
    %mul3A_50 = arith.muli %arg1, %mul3A_49 : i32
    %mul3A_51 = arith.constant 640 : i32
    %mul3A_52 = arith.muli %arg1, %mul3A_51 : i32
    "tpu.region"() ({
      %run_scoped3A = tpu.sem_alloc : memref<!tpu.dma_semaphore, #tpu.memory_space<semaphore_mem>>
      %dma_start3A = tpu.memref_slice %arg3[%arg0, %mul3A_52] : memref<2x10240xf32, #tpu.memory_space<hbm>> -> memref<1x640xf32, #tpu.memory_space<hbm>>
      %dma_start3A_53 = tpu.memref_squeeze %dma_start3A : memref<1x640xf32, #tpu.memory_space<hbm>> -> memref<640xf32, #tpu.memory_space<hbm>>
      %dma_start3A_54 = tpu.memref_slice %arg7[%mul3A_50] : memref<10240xf32, #tpu.memory_space<vmem_shared>> -> memref<640xf32, #tpu.memory_space<vmem_shared>>
      tpu.enqueue_dma source(%dma_start3A_54 : memref<640xf32, #tpu.memory_space<vmem_shared>>) target(%dma_start3A_53 : memref<640xf32, #tpu.memory_space<hbm>>) target_semaphore(%run_scoped3A : memref<!tpu.dma_semaphore, #tpu.memory_space<semaphore_mem>>)
      %dma_wait3A = tpu.memref_slice %arg3[%arg0, %mul3A_52] : memref<2x10240xf32, #tpu.memory_space<hbm>> -> memref<1x640xf32, #tpu.memory_space<hbm>>
      %dma_wait3A_55 = tpu.memref_squeeze %dma_wait3A : memref<1x640xf32, #tpu.memory_space<hbm>> -> memref<640xf32, #tpu.memory_space<hbm>>
      %dma_wait3A_56 = tpu.memref_slice %arg7[%mul3A_50] : memref<10240xf32, #tpu.memory_space<vmem_shared>> -> memref<640xf32, #tpu.memory_space<vmem_shared>>
      tpu.wait_dma2 semaphore(%run_scoped3A : memref<!tpu.dma_semaphore, #tpu.memory_space<semaphore_mem>>) src(%dma_wait3A_56 : memref<640xf32, #tpu.memory_space<vmem_shared>>) dst(%dma_wait3A_55 : memref<640xf32, #tpu.memory_space<hbm>>)
      tpu.yield
    }) : () -> ()
    return
  }
}

#map = affine_map<(d0, d1) -> (0, 0)>
#map1 = affine_map<(d0, d1) -> (0, 0, 0, 0, 0)>
#map2 = affine_map<(d0, d1) -> (0, 0, 0)>
module attributes {stable_mosaic.version = 14 : i64} {
  func.func @_sc_scatter(%arg0: i32, %arg1: i32, %arg2: memref<10000x128xf32, #tpu.memory_space<hbm>>, %arg3: memref<32x3x2x13x128xi32, #tpu.memory_space<hbm>>, %arg4: memref<32x3x2x13x128xi32, #tpu.memory_space<hbm>>, %arg5: memref<32x16xi32, #tpu.memory_space<hbm>>, %arg6: memref<32x16xi32, #tpu.memory_space<hbm>>, %arg7: memref<2x10112x128xf32, #tpu.memory_space<hbm>>, %arg8: memref<2x13x128xi32, #tpu.memory_space<vmem>>, %arg9: memref<2x13x128xi32, #tpu.memory_space<vmem>>, %arg10: memref<2x128x128xf32, #tpu.memory_space<vmem>>, %arg11: memref<16xi32, #tpu.memory_space<vmem>>, %arg12: memref<16xi32, #tpu.memory_space<vmem>>, %arg13: memref<10112x128xf32, #tpu.memory_space<vmem_shared>>, %arg14: memref<!tpu.dma_semaphore, #tpu.memory_space<semaphore_mem>>, %arg15: memref<!tpu.dma_semaphore, #tpu.memory_space<semaphore_mem>>, %arg16: memref<!tpu.dma_semaphore, #tpu.memory_space<semaphore_mem>>, %arg17: memref<!tpu.dma_semaphore, #tpu.memory_space<semaphore_mem>>) attributes {dimension_semantics = [#tpu.dimension_semantics<core_parallel>, #tpu.dimension_semantics<subcore_parallel>], iteration_bounds = array<i64: 2, 16>, scalar_prefetch = 0 : i64, scratch_operands = 10 : i64, tpu.core_type = #tpu.core_type<sc_vector_subcore>, window_params = [{transform_indices = #map}, {transform_indices = #map1}, {transform_indices = #map1}, {transform_indices = #map}, {transform_indices = #map}, {transform_indices = #map2}]} {
    %mul3A = arith.constant 16 : i32
    %mul3A_0 = arith.muli %arg0, %mul3A : i32
    %add3A = arith.addi %mul3A_0, %arg1 : i32
    %scan3A = arith.constant 0 : i32
    %scan3A_1 = arith.constant 0 : i32
    %scan3A_2 = arith.constant 128 : i32
    %scan3A_3 = arith.addi %scan3A_1, %scan3A_2 : i32
    %scan3A_4 = arith.constant 1 : i32
    scf.for %scan3A_152 = %scan3A_1 to %scan3A_3 step %scan3A_4  : i32 {
      %broadcast_in_dim3A = arith.constant 0.000000e+00 : f32
      %broadcast_in_dim3A_153 = vector.broadcast %broadcast_in_dim3A : f32 to vector<16xf32>
      %swap3A = arith.constant 0 : i32
      %swap3A_154 = arith.index_cast %swap3A : i32 to index
      %swap3A_155 = arith.index_cast %scan3A_152 : i32 to index
      %swap3A_156 = arith.constant 0 : index
      %swap3A_157 = tpu.vector_load %arg10[%swap3A_154, %swap3A_155, %swap3A_156] {strides = array<i32>} : memref<2x128x128xf32, #tpu.memory_space<vmem>>, vector<1x1x16xf32>,
      %swap3A_158 = vector.shape_cast %swap3A_157 : vector<1x1x16xf32> to vector<16xf32>
      %swap3A_159 = vector.shape_cast %broadcast_in_dim3A_153 : vector<16xf32> to vector<1x1x16xf32>
      tpu.vector_store %arg10[%swap3A_154, %swap3A_155, %swap3A_156], %swap3A_159 {strides = array<i32>} : memref<2x128x128xf32, #tpu.memory_space<vmem>>, vector<1x1x16xf32>,
      %broadcast_in_dim3A_160 = arith.constant 0.000000e+00 : f32
      %broadcast_in_dim3A_161 = vector.broadcast %broadcast_in_dim3A_160 : f32 to vector<16xf32>
      %swap3A_162 = arith.constant 0 : i32
      %swap3A_163 = arith.index_cast %swap3A_162 : i32 to index
      %swap3A_164 = arith.index_cast %scan3A_152 : i32 to index
      %swap3A_165 = arith.constant 16 : index
      %swap3A_166 = tpu.vector_load %arg10[%swap3A_163, %swap3A_164, %swap3A_165] {strides = array<i32>} : memref<2x128x128xf32, #tpu.memory_space<vmem>>, vector<1x1x16xf32>,
      %swap3A_167 = vector.shape_cast %swap3A_166 : vector<1x1x16xf32> to vector<16xf32>
      %swap3A_168 = vector.shape_cast %broadcast_in_dim3A_161 : vector<16xf32> to vector<1x1x16xf32>
      tpu.vector_store %arg10[%swap3A_163, %swap3A_164, %swap3A_165], %swap3A_168 {strides = array<i32>} : memref<2x128x128xf32, #tpu.memory_space<vmem>>, vector<1x1x16xf32>,
      %broadcast_in_dim3A_169 = arith.constant 0.000000e+00 : f32
      %broadcast_in_dim3A_170 = vector.broadcast %broadcast_in_dim3A_169 : f32 to vector<16xf32>
      %swap3A_171 = arith.constant 0 : i32
      %swap3A_172 = arith.index_cast %swap3A_171 : i32 to index
      %swap3A_173 = arith.index_cast %scan3A_152 : i32 to index
      %swap3A_174 = arith.constant 32 : index
      %swap3A_175 = tpu.vector_load %arg10[%swap3A_172, %swap3A_173, %swap3A_174] {strides = array<i32>} : memref<2x128x128xf32, #tpu.memory_space<vmem>>, vector<1x1x16xf32>,
      %swap3A_176 = vector.shape_cast %swap3A_175 : vector<1x1x16xf32> to vector<16xf32>
      %swap3A_177 = vector.shape_cast %broadcast_in_dim3A_170 : vector<16xf32> to vector<1x1x16xf32>
      tpu.vector_store %arg10[%swap3A_172, %swap3A_173, %swap3A_174], %swap3A_177 {strides = array<i32>} : memref<2x128x128xf32, #tpu.memory_space<vmem>>, vector<1x1x16xf32>,
      %broadcast_in_dim3A_178 = arith.constant 0.000000e+00 : f32
      %broadcast_in_dim3A_179 = vector.broadcast %broadcast_in_dim3A_178 : f32 to vector<16xf32>
      %swap3A_180 = arith.constant 0 : i32
      %swap3A_181 = arith.index_cast %swap3A_180 : i32 to index
      %swap3A_182 = arith.index_cast %scan3A_152 : i32 to index
      %swap3A_183 = arith.constant 48 : index
      %swap3A_184 = tpu.vector_load %arg10[%swap3A_181, %swap3A_182, %swap3A_183] {strides = array<i32>} : memref<2x128x128xf32, #tpu.memory_space<vmem>>, vector<1x1x16xf32>,
      %swap3A_185 = vector.shape_cast %swap3A_184 : vector<1x1x16xf32> to vector<16xf32>
      %swap3A_186 = vector.shape_cast %broadcast_in_dim3A_179 : vector<16xf32> to vector<1x1x16xf32>
      tpu.vector_store %arg10[%swap3A_181, %swap3A_182, %swap3A_183], %swap3A_186 {strides = array<i32>} : memref<2x128x128xf32, #tpu.memory_space<vmem>>, vector<1x1x16xf32>,
      %broadcast_in_dim3A_187 = arith.constant 0.000000e+00 : f32
      %broadcast_in_dim3A_188 = vector.broadcast %broadcast_in_dim3A_187 : f32 to vector<16xf32>
      %swap3A_189 = arith.constant 0 : i32
      %swap3A_190 = arith.index_cast %swap3A_189 : i32 to index
      %swap3A_191 = arith.index_cast %scan3A_152 : i32 to index
      %swap3A_192 = arith.constant 64 : index
      %swap3A_193 = tpu.vector_load %arg10[%swap3A_190, %swap3A_191, %swap3A_192] {strides = array<i32>} : memref<2x128x128xf32, #tpu.memory_space<vmem>>, vector<1x1x16xf32>,
      %swap3A_194 = vector.shape_cast %swap3A_193 : vector<1x1x16xf32> to vector<16xf32>
      %swap3A_195 = vector.shape_cast %broadcast_in_dim3A_188 : vector<16xf32> to vector<1x1x16xf32>
      tpu.vector_store %arg10[%swap3A_190, %swap3A_191, %swap3A_192], %swap3A_195 {strides = array<i32>} : memref<2x128x128xf32, #tpu.memory_space<vmem>>, vector<1x1x16xf32>,
      %broadcast_in_dim3A_196 = arith.constant 0.000000e+00 : f32
      %broadcast_in_dim3A_197 = vector.broadcast %broadcast_in_dim3A_196 : f32 to vector<16xf32>
      %swap3A_198 = arith.constant 0 : i32
      %swap3A_199 = arith.index_cast %swap3A_198 : i32 to index
      %swap3A_200 = arith.index_cast %scan3A_152 : i32 to index
      %swap3A_201 = arith.constant 80 : index
      %swap3A_202 = tpu.vector_load %arg10[%swap3A_199, %swap3A_200, %swap3A_201] {strides = array<i32>} : memref<2x128x128xf32, #tpu.memory_space<vmem>>, vector<1x1x16xf32>,
      %swap3A_203 = vector.shape_cast %swap3A_202 : vector<1x1x16xf32> to vector<16xf32>
      %swap3A_204 = vector.shape_cast %broadcast_in_dim3A_197 : vector<16xf32> to vector<1x1x16xf32>
      tpu.vector_store %arg10[%swap3A_199, %swap3A_200, %swap3A_201], %swap3A_204 {strides = array<i32>} : memref<2x128x128xf32, #tpu.memory_space<vmem>>, vector<1x1x16xf32>,
      %broadcast_in_dim3A_205 = arith.constant 0.000000e+00 : f32
      %broadcast_in_dim3A_206 = vector.broadcast %broadcast_in_dim3A_205 : f32 to vector<16xf32>
      %swap3A_207 = arith.constant 0 : i32
      %swap3A_208 = arith.index_cast %swap3A_207 : i32 to index
      %swap3A_209 = arith.index_cast %scan3A_152 : i32 to index
      %swap3A_210 = arith.constant 96 : index
      %swap3A_211 = tpu.vector_load %arg10[%swap3A_208, %swap3A_209, %swap3A_210] {strides = array<i32>} : memref<2x128x128xf32, #tpu.memory_space<vmem>>, vector<1x1x16xf32>,
      %swap3A_212 = vector.shape_cast %swap3A_211 : vector<1x1x16xf32> to vector<16xf32>
      %swap3A_213 = vector.shape_cast %broadcast_in_dim3A_206 : vector<16xf32> to vector<1x1x16xf32>
      tpu.vector_store %arg10[%swap3A_208, %swap3A_209, %swap3A_210], %swap3A_213 {strides = array<i32>} : memref<2x128x128xf32, #tpu.memory_space<vmem>>, vector<1x1x16xf32>,
      %broadcast_in_dim3A_214 = arith.constant 0.000000e+00 : f32
      %broadcast_in_dim3A_215 = vector.broadcast %broadcast_in_dim3A_214 : f32 to vector<16xf32>
      %swap3A_216 = arith.constant 0 : i32
      %swap3A_217 = arith.index_cast %swap3A_216 : i32 to index
      %swap3A_218 = arith.index_cast %scan3A_152 : i32 to index
      %swap3A_219 = arith.constant 112 : index
      %swap3A_220 = tpu.vector_load %arg10[%swap3A_217, %swap3A_218, %swap3A_219] {strides = array<i32>} : memref<2x128x128xf32, #tpu.memory_space<vmem>>, vector<1x1x16xf32>,
      %swap3A_221 = vector.shape_cast %swap3A_220 : vector<1x1x16xf32> to vector<16xf32>
      %swap3A_222 = vector.shape_cast %broadcast_in_dim3A_215 : vector<16xf32> to vector<1x1x16xf32>
      tpu.vector_store %arg10[%swap3A_217, %swap3A_218, %swap3A_219], %swap3A_222 {strides = array<i32>} : memref<2x128x128xf32, #tpu.memory_space<vmem>>, vector<1x1x16xf32>,
    }
    %scan3A_5 = arith.constant 128 : i32
    %mul3A_6 = arith.constant 632 : i32
    %mul3A_7 = arith.muli %arg1, %mul3A_6 : i32
    %add3A_8 = arith.constant 0 : i32
    %add3A_9 = arith.addi %mul3A_7, %add3A_8 : i32
    %run_scoped3A = arith.constant 0 : i32
    "tpu.region"() ({
      %run_scoped3A_152 = tpu.sem_alloc : memref<!tpu.dma_semaphore, #tpu.memory_space<semaphore_mem>>
      %dma_start3A_153 = arith.constant 0 : i32
      %dma_start3A_154 = arith.constant 0 : i32
      %dma_start3A_155 = tpu.memref_slice %arg10[%run_scoped3A, %dma_start3A_153, %dma_start3A_154] : memref<2x128x128xf32, #tpu.memory_space<vmem>> -> memref<1x128x128xf32, #tpu.memory_space<vmem>>
      %dma_start3A_156 = tpu.memref_squeeze %dma_start3A_155 : memref<1x128x128xf32, #tpu.memory_space<vmem>> -> memref<128x128xf32, #tpu.memory_space<vmem>>
      %dma_start3A_157 = arith.constant 0 : i32
      %dma_start3A_158 = tpu.memref_slice %arg13[%add3A_9, %dma_start3A_157] : memref<10112x128xf32, #tpu.memory_space<vmem_shared>> -> memref<128x128xf32, #tpu.memory_space<vmem_shared>>
      %dma_start3A_159 = arith.constant 0 : i32
      %dma_start3A_160 = tpu.memref_slice %arg13[%add3A_9, %dma_start3A_159] : memref<10112x128xf32, #tpu.memory_space<vmem_shared>> -> memref<128x128xf32, #tpu.memory_space<vmem_shared>>
      %dma_start3A_161 = arith.constant 0 : i32
      %dma_start3A_162 = arith.constant 0 : i32
      %dma_start3A_163 = tpu.memref_slice %arg10[%run_scoped3A, %dma_start3A_161, %dma_start3A_162] : memref<2x128x128xf32, #tpu.memory_space<vmem>> -> memref<1x128x128xf32, #tpu.memory_space<vmem>>
      %dma_start3A_164 = tpu.memref_squeeze %dma_start3A_163 : memref<1x128x128xf32, #tpu.memory_space<vmem>> -> memref<128x128xf32, #tpu.memory_space<vmem>>
      tpu.enqueue_dma source(%dma_start3A_164 : memref<128x128xf32, #tpu.memory_space<vmem>>) target(%dma_start3A_160 : memref<128x128xf32, #tpu.memory_space<vmem_shared>>) target_semaphore(%run_scoped3A_152 : memref<!tpu.dma_semaphore, #tpu.memory_space<semaphore_mem>>)
      %dma_wait3A_165 = arith.constant 0 : i32
      %dma_wait3A_166 = arith.constant 0 : i32
      %dma_wait3A_167 = tpu.memref_slice %arg10[%run_scoped3A, %dma_wait3A_165, %dma_wait3A_166] : memref<2x128x128xf32, #tpu.memory_space<vmem>> -> memref<1x128x128xf32, #tpu.memory_space<vmem>>
      %dma_wait3A_168 = tpu.memref_squeeze %dma_wait3A_167 : memref<1x128x128xf32, #tpu.memory_space<vmem>> -> memref<128x128xf32, #tpu.memory_space<vmem>>
      %dma_wait3A_169 = arith.constant 0 : i32
      %dma_wait3A_170 = tpu.memref_slice %arg13[%add3A_9, %dma_wait3A_169] : memref<10112x128xf32, #tpu.memory_space<vmem_shared>> -> memref<128x128xf32, #tpu.memory_space<vmem_shared>>
      %dma_wait3A_171 = arith.constant 0 : i32
      %dma_wait3A_172 = tpu.memref_slice %arg13[%add3A_9, %dma_wait3A_171] : memref<10112x128xf32, #tpu.memory_space<vmem_shared>> -> memref<128x128xf32, #tpu.memory_space<vmem_shared>>
      %dma_wait3A_173 = arith.constant 0 : i32
      %dma_wait3A_174 = arith.constant 0 : i32
      %dma_wait3A_175 = tpu.memref_slice %arg10[%run_scoped3A, %dma_wait3A_173, %dma_wait3A_174] : memref<2x128x128xf32, #tpu.memory_space<vmem>> -> memref<1x128x128xf32, #tpu.memory_space<vmem>>
      %dma_wait3A_176 = tpu.memref_squeeze %dma_wait3A_175 : memref<1x128x128xf32, #tpu.memory_space<vmem>> -> memref<128x128xf32, #tpu.memory_space<vmem>>
      tpu.wait_dma2 semaphore(%run_scoped3A_152 : memref<!tpu.dma_semaphore, #tpu.memory_space<semaphore_mem>>) src(%dma_wait3A_176 : memref<128x128xf32, #tpu.memory_space<vmem>>) dst(%dma_wait3A_172 : memref<128x128xf32, #tpu.memory_space<vmem_shared>>)
      tpu.yield
    }) : () -> ()
    %mul3A_10 = arith.constant 632 : i32
    %mul3A_11 = arith.muli %arg1, %mul3A_10 : i32
    %add3A_12 = arith.constant 128 : i32
    %add3A_13 = arith.addi %mul3A_11, %add3A_12 : i32
    %run_scoped3A_14 = arith.constant 0 : i32
    "tpu.region"() ({
      %run_scoped3A_152 = tpu.sem_alloc : memref<!tpu.dma_semaphore, #tpu.memory_space<semaphore_mem>>
      %dma_start3A_153 = arith.constant 0 : i32
      %dma_start3A_154 = arith.constant 0 : i32
      %dma_start3A_155 = tpu.memref_slice %arg10[%run_scoped3A_14, %dma_start3A_153, %dma_start3A_154] : memref<2x128x128xf32, #tpu.memory_space<vmem>> -> memref<1x128x128xf32, #tpu.memory_space<vmem>>
      %dma_start3A_156 = tpu.memref_squeeze %dma_start3A_155 : memref<1x128x128xf32, #tpu.memory_space<vmem>> -> memref<128x128xf32, #tpu.memory_space<vmem>>
      %dma_start3A_157 = arith.constant 0 : i32
      %dma_start3A_158 = tpu.memref_slice %arg13[%add3A_13, %dma_start3A_157] : memref<10112x128xf32, #tpu.memory_space<vmem_shared>> -> memref<128x128xf32, #tpu.memory_space<vmem_shared>>
      %dma_start3A_159 = arith.constant 0 : i32
      %dma_start3A_160 = tpu.memref_slice %arg13[%add3A_13, %dma_start3A_159] : memref<10112x128xf32, #tpu.memory_space<vmem_shared>> -> memref<128x128xf32, #tpu.memory_space<vmem_shared>>
      %dma_start3A_161 = arith.constant 0 : i32
      %dma_start3A_162 = arith.constant 0 : i32
      %dma_start3A_163 = tpu.memref_slice %arg10[%run_scoped3A_14, %dma_start3A_161, %dma_start3A_162] : memref<2x128x128xf32, #tpu.memory_space<vmem>> -> memref<1x128x128xf32, #tpu.memory_space<vmem>>
      %dma_start3A_164 = tpu.memref_squeeze %dma_start3A_163 : memref<1x128x128xf32, #tpu.memory_space<vmem>> -> memref<128x128xf32, #tpu.memory_space<vmem>>
      tpu.enqueue_dma source(%dma_start3A_164 : memref<128x128xf32, #tpu.memory_space<vmem>>) target(%dma_start3A_160 : memref<128x128xf32, #tpu.memory_space<vmem_shared>>) target_semaphore(%run_scoped3A_152 : memref<!tpu.dma_semaphore, #tpu.memory_space<semaphore_mem>>)
      %dma_wait3A_165 = arith.constant 0 : i32
      %dma_wait3A_166 = arith.constant 0 : i32
      %dma_wait3A_167 = tpu.memref_slice %arg10[%run_scoped3A_14, %dma_wait3A_165, %dma_wait3A_166] : memref<2x128x128xf32, #tpu.memory_space<vmem>> -> memref<1x128x128xf32, #tpu.memory_space<vmem>>
      %dma_wait3A_168 = tpu.memref_squeeze %dma_wait3A_167 : memref<1x128x128xf32, #tpu.memory_space<vmem>> -> memref<128x128xf32, #tpu.memory_space<vmem>>
      %dma_wait3A_169 = arith.constant 0 : i32
      %dma_wait3A_170 = tpu.memref_slice %arg13[%add3A_13, %dma_wait3A_169] : memref<10112x128xf32, #tpu.memory_space<vmem_shared>> -> memref<128x128xf32, #tpu.memory_space<vmem_shared>>
      %dma_wait3A_171 = arith.constant 0 : i32
      %dma_wait3A_172 = tpu.memref_slice %arg13[%add3A_13, %dma_wait3A_171] : memref<10112x128xf32, #tpu.memory_space<vmem_shared>> -> memref<128x128xf32, #tpu.memory_space<vmem_shared>>
      %dma_wait3A_173 = arith.constant 0 : i32
      %dma_wait3A_174 = arith.constant 0 : i32
      %dma_wait3A_175 = tpu.memref_slice %arg10[%run_scoped3A_14, %dma_wait3A_173, %dma_wait3A_174] : memref<2x128x128xf32, #tpu.memory_space<vmem>> -> memref<1x128x128xf32, #tpu.memory_space<vmem>>
      %dma_wait3A_176 = tpu.memref_squeeze %dma_wait3A_175 : memref<1x128x128xf32, #tpu.memory_space<vmem>> -> memref<128x128xf32, #tpu.memory_space<vmem>>
      tpu.wait_dma2 semaphore(%run_scoped3A_152 : memref<!tpu.dma_semaphore, #tpu.memory_space<semaphore_mem>>) src(%dma_wait3A_176 : memref<128x128xf32, #tpu.memory_space<vmem>>) dst(%dma_wait3A_172 : memref<128x128xf32, #tpu.memory_space<vmem_shared>>)
      tpu.yield
    }) : () -> ()
    %mul3A_15 = arith.constant 632 : i32
    %mul3A_16 = arith.muli %arg1, %mul3A_15 : i32
    %add3A_17 = arith.constant 256 : i32
    %add3A_18 = arith.addi %mul3A_16, %add3A_17 : i32
    %run_scoped3A_19 = arith.constant 0 : i32
    "tpu.region"() ({
      %run_scoped3A_152 = tpu.sem_alloc : memref<!tpu.dma_semaphore, #tpu.memory_space<semaphore_mem>>
      %dma_start3A_153 = arith.constant 0 : i32
      %dma_start3A_154 = arith.constant 0 : i32
      %dma_start3A_155 = tpu.memref_slice %arg10[%run_scoped3A_19, %dma_start3A_153, %dma_start3A_154] : memref<2x128x128xf32, #tpu.memory_space<vmem>> -> memref<1x128x128xf32, #tpu.memory_space<vmem>>
      %dma_start3A_156 = tpu.memref_squeeze %dma_start3A_155 : memref<1x128x128xf32, #tpu.memory_space<vmem>> -> memref<128x128xf32, #tpu.memory_space<vmem>>
      %dma_start3A_157 = arith.constant 0 : i32
      %dma_start3A_158 = tpu.memref_slice %arg13[%add3A_18, %dma_start3A_157] : memref<10112x128xf32, #tpu.memory_space<vmem_shared>> -> memref<128x128xf32, #tpu.memory_space<vmem_shared>>
      %dma_start3A_159 = arith.constant 0 : i32
      %dma_start3A_160 = tpu.memref_slice %arg13[%add3A_18, %dma_start3A_159] : memref<10112x128xf32, #tpu.memory_space<vmem_shared>> -> memref<128x128xf32, #tpu.memory_space<vmem_shared>>
      %dma_start3A_161 = arith.constant 0 : i32
      %dma_start3A_162 = arith.constant 0 : i32
      %dma_start3A_163 = tpu.memref_slice %arg10[%run_scoped3A_19, %dma_start3A_161, %dma_start3A_162] : memref<2x128x128xf32, #tpu.memory_space<vmem>> -> memref<1x128x128xf32, #tpu.memory_space<vmem>>
      %dma_start3A_164 = tpu.memref_squeeze %dma_start3A_163 : memref<1x128x128xf32, #tpu.memory_space<vmem>> -> memref<128x128xf32, #tpu.memory_space<vmem>>
      tpu.enqueue_dma source(%dma_start3A_164 : memref<128x128xf32, #tpu.memory_space<vmem>>) target(%dma_start3A_160 : memref<128x128xf32, #tpu.memory_space<vmem_shared>>) target_semaphore(%run_scoped3A_152 : memref<!tpu.dma_semaphore, #tpu.memory_space<semaphore_mem>>)
      %dma_wait3A_165 = arith.constant 0 : i32
      %dma_wait3A_166 = arith.constant 0 : i32
      %dma_wait3A_167 = tpu.memref_slice %arg10[%run_scoped3A_19, %dma_wait3A_165, %dma_wait3A_166] : memref<2x128x128xf32, #tpu.memory_space<vmem>> -> memref<1x128x128xf32, #tpu.memory_space<vmem>>
      %dma_wait3A_168 = tpu.memref_squeeze %dma_wait3A_167 : memref<1x128x128xf32, #tpu.memory_space<vmem>> -> memref<128x128xf32, #tpu.memory_space<vmem>>
      %dma_wait3A_169 = arith.constant 0 : i32
      %dma_wait3A_170 = tpu.memref_slice %arg13[%add3A_18, %dma_wait3A_169] : memref<10112x128xf32, #tpu.memory_space<vmem_shared>> -> memref<128x128xf32, #tpu.memory_space<vmem_shared>>
      %dma_wait3A_171 = arith.constant 0 : i32
      %dma_wait3A_172 = tpu.memref_slice %arg13[%add3A_18, %dma_wait3A_171] : memref<10112x128xf32, #tpu.memory_space<vmem_shared>> -> memref<128x128xf32, #tpu.memory_space<vmem_shared>>
      %dma_wait3A_173 = arith.constant 0 : i32
      %dma_wait3A_174 = arith.constant 0 : i32
      %dma_wait3A_175 = tpu.memref_slice %arg10[%run_scoped3A_19, %dma_wait3A_173, %dma_wait3A_174] : memref<2x128x128xf32, #tpu.memory_space<vmem>> -> memref<1x128x128xf32, #tpu.memory_space<vmem>>
      %dma_wait3A_176 = tpu.memref_squeeze %dma_wait3A_175 : memref<1x128x128xf32, #tpu.memory_space<vmem>> -> memref<128x128xf32, #tpu.memory_space<vmem>>
      tpu.wait_dma2 semaphore(%run_scoped3A_152 : memref<!tpu.dma_semaphore, #tpu.memory_space<semaphore_mem>>) src(%dma_wait3A_176 : memref<128x128xf32, #tpu.memory_space<vmem>>) dst(%dma_wait3A_172 : memref<128x128xf32, #tpu.memory_space<vmem_shared>>)
      tpu.yield
    }) : () -> ()
    %mul3A_20 = arith.constant 632 : i32
    %mul3A_21 = arith.muli %arg1, %mul3A_20 : i32
    %add3A_22 = arith.constant 384 : i32
    %add3A_23 = arith.addi %mul3A_21, %add3A_22 : i32
    %run_scoped3A_24 = arith.constant 0 : i32
    "tpu.region"() ({
      %run_scoped3A_152 = tpu.sem_alloc : memref<!tpu.dma_semaphore, #tpu.memory_space<semaphore_mem>>
      %dma_start3A_153 = arith.constant 0 : i32
      %dma_start3A_154 = arith.constant 0 : i32
      %dma_start3A_155 = tpu.memref_slice %arg10[%run_scoped3A_24, %dma_start3A_153, %dma_start3A_154] : memref<2x128x128xf32, #tpu.memory_space<vmem>> -> memref<1x128x128xf32, #tpu.memory_space<vmem>>
      %dma_start3A_156 = tpu.memref_squeeze %dma_start3A_155 : memref<1x128x128xf32, #tpu.memory_space<vmem>> -> memref<128x128xf32, #tpu.memory_space<vmem>>
      %dma_start3A_157 = arith.constant 0 : i32
      %dma_start3A_158 = tpu.memref_slice %arg13[%add3A_23, %dma_start3A_157] : memref<10112x128xf32, #tpu.memory_space<vmem_shared>> -> memref<128x128xf32, #tpu.memory_space<vmem_shared>>
      %dma_start3A_159 = arith.constant 0 : i32
      %dma_start3A_160 = tpu.memref_slice %arg13[%add3A_23, %dma_start3A_159] : memref<10112x128xf32, #tpu.memory_space<vmem_shared>> -> memref<128x128xf32, #tpu.memory_space<vmem_shared>>
      %dma_start3A_161 = arith.constant 0 : i32
      %dma_start3A_162 = arith.constant 0 : i32
      %dma_start3A_163 = tpu.memref_slice %arg10[%run_scoped3A_24, %dma_start3A_161, %dma_start3A_162] : memref<2x128x128xf32, #tpu.memory_space<vmem>> -> memref<1x128x128xf32, #tpu.memory_space<vmem>>
      %dma_start3A_164 = tpu.memref_squeeze %dma_start3A_163 : memref<1x128x128xf32, #tpu.memory_space<vmem>> -> memref<128x128xf32, #tpu.memory_space<vmem>>
      tpu.enqueue_dma source(%dma_start3A_164 : memref<128x128xf32, #tpu.memory_space<vmem>>) target(%dma_start3A_160 : memref<128x128xf32, #tpu.memory_space<vmem_shared>>) target_semaphore(%run_scoped3A_152 : memref<!tpu.dma_semaphore, #tpu.memory_space<semaphore_mem>>)
      %dma_wait3A_165 = arith.constant 0 : i32
      %dma_wait3A_166 = arith.constant 0 : i32
      %dma_wait3A_167 = tpu.memref_slice %arg10[%run_scoped3A_24, %dma_wait3A_165, %dma_wait3A_166] : memref<2x128x128xf32, #tpu.memory_space<vmem>> -> memref<1x128x128xf32, #tpu.memory_space<vmem>>
      %dma_wait3A_168 = tpu.memref_squeeze %dma_wait3A_167 : memref<1x128x128xf32, #tpu.memory_space<vmem>> -> memref<128x128xf32, #tpu.memory_space<vmem>>
      %dma_wait3A_169 = arith.constant 0 : i32
      %dma_wait3A_170 = tpu.memref_slice %arg13[%add3A_23, %dma_wait3A_169] : memref<10112x128xf32, #tpu.memory_space<vmem_shared>> -> memref<128x128xf32, #tpu.memory_space<vmem_shared>>
      %dma_wait3A_171 = arith.constant 0 : i32
      %dma_wait3A_172 = tpu.memref_slice %arg13[%add3A_23, %dma_wait3A_171] : memref<10112x128xf32, #tpu.memory_space<vmem_shared>> -> memref<128x128xf32, #tpu.memory_space<vmem_shared>>
      %dma_wait3A_173 = arith.constant 0 : i32
      %dma_wait3A_174 = arith.constant 0 : i32
      %dma_wait3A_175 = tpu.memref_slice %arg10[%run_scoped3A_24, %dma_wait3A_173, %dma_wait3A_174] : memref<2x128x128xf32, #tpu.memory_space<vmem>> -> memref<1x128x128xf32, #tpu.memory_space<vmem>>
      %dma_wait3A_176 = tpu.memref_squeeze %dma_wait3A_175 : memref<1x128x128xf32, #tpu.memory_space<vmem>> -> memref<128x128xf32, #tpu.memory_space<vmem>>
      tpu.wait_dma2 semaphore(%run_scoped3A_152 : memref<!tpu.dma_semaphore, #tpu.memory_space<semaphore_mem>>) src(%dma_wait3A_176 : memref<128x128xf32, #tpu.memory_space<vmem>>) dst(%dma_wait3A_172 : memref<128x128xf32, #tpu.memory_space<vmem_shared>>)
      tpu.yield
    }) : () -> ()
    %mul3A_25 = arith.constant 632 : i32
    %mul3A_26 = arith.muli %arg1, %mul3A_25 : i32
    %add3A_27 = arith.constant 512 : i32
    %add3A_28 = arith.addi %mul3A_26, %add3A_27 : i32
    %run_scoped3A_29 = arith.constant 0 : i32
    "tpu.region"() ({
      %run_scoped3A_152 = tpu.sem_alloc : memref<!tpu.dma_semaphore, #tpu.memory_space<semaphore_mem>>
      %dma_start3A_153 = arith.constant 0 : i32
      %dma_start3A_154 = arith.constant 0 : i32
      %dma_start3A_155 = tpu.memref_slice %arg10[%run_scoped3A_29, %dma_start3A_153, %dma_start3A_154] : memref<2x128x128xf32, #tpu.memory_space<vmem>> -> memref<1x120x128xf32, #tpu.memory_space<vmem>>
      %dma_start3A_156 = tpu.memref_squeeze %dma_start3A_155 : memref<1x120x128xf32, #tpu.memory_space<vmem>> -> memref<120x128xf32, #tpu.memory_space<vmem>>
      %dma_start3A_157 = arith.constant 0 : i32
      %dma_start3A_158 = tpu.memref_slice %arg13[%add3A_28, %dma_start3A_157] : memref<10112x128xf32, #tpu.memory_space<vmem_shared>> -> memref<120x128xf32, #tpu.memory_space<vmem_shared>>
      %dma_start3A_159 = arith.constant 0 : i32
      %dma_start3A_160 = tpu.memref_slice %arg13[%add3A_28, %dma_start3A_159] : memref<10112x128xf32, #tpu.memory_space<vmem_shared>> -> memref<120x128xf32, #tpu.memory_space<vmem_shared>>
      %dma_start3A_161 = arith.constant 0 : i32
      %dma_start3A_162 = arith.constant 0 : i32
      %dma_start3A_163 = tpu.memref_slice %arg10[%run_scoped3A_29, %dma_start3A_161, %dma_start3A_162] : memref<2x128x128xf32, #tpu.memory_space<vmem>> -> memref<1x120x128xf32, #tpu.memory_space<vmem>>
      %dma_start3A_164 = tpu.memref_squeeze %dma_start3A_163 : memref<1x120x128xf32, #tpu.memory_space<vmem>> -> memref<120x128xf32, #tpu.memory_space<vmem>>
      tpu.enqueue_dma source(%dma_start3A_164 : memref<120x128xf32, #tpu.memory_space<vmem>>) target(%dma_start3A_160 : memref<120x128xf32, #tpu.memory_space<vmem_shared>>) target_semaphore(%run_scoped3A_152 : memref<!tpu.dma_semaphore, #tpu.memory_space<semaphore_mem>>)
      %dma_wait3A_165 = arith.constant 0 : i32
      %dma_wait3A_166 = arith.constant 0 : i32
      %dma_wait3A_167 = tpu.memref_slice %arg10[%run_scoped3A_29, %dma_wait3A_165, %dma_wait3A_166] : memref<2x128x128xf32, #tpu.memory_space<vmem>> -> memref<1x120x128xf32, #tpu.memory_space<vmem>>
      %dma_wait3A_168 = tpu.memref_squeeze %dma_wait3A_167 : memref<1x120x128xf32, #tpu.memory_space<vmem>> -> memref<120x128xf32, #tpu.memory_space<vmem>>
      %dma_wait3A_169 = arith.constant 0 : i32
      %dma_wait3A_170 = tpu.memref_slice %arg13[%add3A_28, %dma_wait3A_169] : memref<10112x128xf32, #tpu.memory_space<vmem_shared>> -> memref<120x128xf32, #tpu.memory_space<vmem_shared>>
      %dma_wait3A_171 = arith.constant 0 : i32
      %dma_wait3A_172 = tpu.memref_slice %arg13[%add3A_28, %dma_wait3A_171] : memref<10112x128xf32, #tpu.memory_space<vmem_shared>> -> memref<120x128xf32, #tpu.memory_space<vmem_shared>>
      %dma_wait3A_173 = arith.constant 0 : i32
      %dma_wait3A_174 = arith.constant 0 : i32
      %dma_wait3A_175 = tpu.memref_slice %arg10[%run_scoped3A_29, %dma_wait3A_173, %dma_wait3A_174] : memref<2x128x128xf32, #tpu.memory_space<vmem>> -> memref<1x120x128xf32, #tpu.memory_space<vmem>>
      %dma_wait3A_176 = tpu.memref_squeeze %dma_wait3A_175 : memref<1x120x128xf32, #tpu.memory_space<vmem>> -> memref<120x128xf32, #tpu.memory_space<vmem>>
      tpu.wait_dma2 semaphore(%run_scoped3A_152 : memref<!tpu.dma_semaphore, #tpu.memory_space<semaphore_mem>>) src(%dma_wait3A_176 : memref<120x128xf32, #tpu.memory_space<vmem>>) dst(%dma_wait3A_172 : memref<120x128xf32, #tpu.memory_space<vmem_shared>>)
      tpu.yield
    }) : () -> ()
    %barrier3A = arith.constant 0 : index
    tpu.barrier barrier_id(%barrier3A)
    %run_scoped3A_30 = arith.constant 0 : i32
    "tpu.region"() ({
      %run_scoped3A_152 = tpu.sem_alloc : memref<!tpu.dma_semaphore, #tpu.memory_space<semaphore_mem>>
      %dma_start3A_153 = arith.constant 0 : i32
      %dma_start3A_154 = arith.constant 0 : i32
      %dma_start3A_155 = arith.constant 0 : i32
      %dma_start3A_156 = tpu.memref_slice %arg3[%add3A, %run_scoped3A_30, %dma_start3A_153, %dma_start3A_154, %dma_start3A_155] : memref<32x3x2x13x128xi32, #tpu.memory_space<hbm>> -> memref<1x1x2x13x128xi32, #tpu.memory_space<hbm>>
      %dma_start3A_157 = tpu.memref_squeeze %dma_start3A_156 : memref<1x1x2x13x128xi32, #tpu.memory_space<hbm>> -> memref<2x13x128xi32, #tpu.memory_space<hbm>>
      %dma_start3A_158 = arith.constant 0 : i32
      %dma_start3A_159 = arith.constant 0 : i32
      %dma_start3A_160 = arith.constant 0 : i32
      %dma_start3A_161 = tpu.memref_slice %arg3[%add3A, %run_scoped3A_30, %dma_start3A_158, %dma_start3A_159, %dma_start3A_160] : memref<32x3x2x13x128xi32, #tpu.memory_space<hbm>> -> memref<1x1x2x13x128xi32, #tpu.memory_space<hbm>>
      %dma_start3A_162 = tpu.memref_squeeze %dma_start3A_161 : memref<1x1x2x13x128xi32, #tpu.memory_space<hbm>> -> memref<2x13x128xi32, #tpu.memory_space<hbm>>
      tpu.enqueue_dma source(%dma_start3A_162 : memref<2x13x128xi32, #tpu.memory_space<hbm>>) target(%arg8 : memref<2x13x128xi32, #tpu.memory_space<vmem>>) target_semaphore(%run_scoped3A_152 : memref<!tpu.dma_semaphore, #tpu.memory_space<semaphore_mem>>)
      %dma_wait3A_163 = arith.constant 0 : i32
      %dma_wait3A_164 = arith.constant 0 : i32
      %dma_wait3A_165 = arith.constant 0 : i32
      %dma_wait3A_166 = tpu.memref_slice %arg3[%add3A, %run_scoped3A_30, %dma_wait3A_163, %dma_wait3A_164, %dma_wait3A_165] : memref<32x3x2x13x128xi32, #tpu.memory_space<hbm>> -> memref<1x1x2x13x128xi32, #tpu.memory_space<hbm>>
      %dma_wait3A_167 = tpu.memref_squeeze %dma_wait3A_166 : memref<1x1x2x13x128xi32, #tpu.memory_space<hbm>> -> memref<2x13x128xi32, #tpu.memory_space<hbm>>
      %dma_wait3A_168 = arith.constant 0 : i32
      %dma_wait3A_169 = arith.constant 0 : i32
      %dma_wait3A_170 = arith.constant 0 : i32
      %dma_wait3A_171 = tpu.memref_slice %arg3[%add3A, %run_scoped3A_30, %dma_wait3A_168, %dma_wait3A_169, %dma_wait3A_170] : memref<32x3x2x13x128xi32, #tpu.memory_space<hbm>> -> memref<1x1x2x13x128xi32, #tpu.memory_space<hbm>>
      %dma_wait3A_172 = tpu.memref_squeeze %dma_wait3A_171 : memref<1x1x2x13x128xi32, #tpu.memory_space<hbm>> -> memref<2x13x128xi32, #tpu.memory_space<hbm>>
      tpu.wait_dma2 semaphore(%run_scoped3A_152 : memref<!tpu.dma_semaphore, #tpu.memory_space<semaphore_mem>>) src(%dma_wait3A_172 : memref<2x13x128xi32, #tpu.memory_space<hbm>>) dst(%arg8 : memref<2x13x128xi32, #tpu.memory_space<vmem>>)
      tpu.yield
    }) : () -> ()
    %run_scoped3A_31 = arith.constant 0 : i32
    "tpu.region"() ({
      %run_scoped3A_152 = tpu.sem_alloc : memref<!tpu.dma_semaphore, #tpu.memory_space<semaphore_mem>>
      %dma_start3A_153 = arith.constant 0 : i32
      %dma_start3A_154 = arith.constant 0 : i32
      %dma_start3A_155 = arith.constant 0 : i32
      %dma_start3A_156 = tpu.memref_slice %arg4[%add3A, %run_scoped3A_31, %dma_start3A_153, %dma_start3A_154, %dma_start3A_155] : memref<32x3x2x13x128xi32, #tpu.memory_space<hbm>> -> memref<1x1x2x13x128xi32, #tpu.memory_space<hbm>>
      %dma_start3A_157 = tpu.memref_squeeze %dma_start3A_156 : memref<1x1x2x13x128xi32, #tpu.memory_space<hbm>> -> memref<2x13x128xi32, #tpu.memory_space<hbm>>
      %dma_start3A_158 = arith.constant 0 : i32
      %dma_start3A_159 = arith.constant 0 : i32
      %dma_start3A_160 = arith.constant 0 : i32
      %dma_start3A_161 = tpu.memref_slice %arg4[%add3A, %run_scoped3A_31, %dma_start3A_158, %dma_start3A_159, %dma_start3A_160] : memref<32x3x2x13x128xi32, #tpu.memory_space<hbm>> -> memref<1x1x2x13x128xi32, #tpu.memory_space<hbm>>
      %dma_start3A_162 = tpu.memref_squeeze %dma_start3A_161 : memref<1x1x2x13x128xi32, #tpu.memory_space<hbm>> -> memref<2x13x128xi32, #tpu.memory_space<hbm>>
      tpu.enqueue_dma source(%dma_start3A_162 : memref<2x13x128xi32, #tpu.memory_space<hbm>>) target(%arg9 : memref<2x13x128xi32, #tpu.memory_space<vmem>>) target_semaphore(%run_scoped3A_152 : memref<!tpu.dma_semaphore, #tpu.memory_space<semaphore_mem>>)
      %dma_wait3A_163 = arith.constant 0 : i32
      %dma_wait3A_164 = arith.constant 0 : i32
      %dma_wait3A_165 = arith.constant 0 : i32
      %dma_wait3A_166 = tpu.memref_slice %arg4[%add3A, %run_scoped3A_31, %dma_wait3A_163, %dma_wait3A_164, %dma_wait3A_165] : memref<32x3x2x13x128xi32, #tpu.memory_space<hbm>> -> memref<1x1x2x13x128xi32, #tpu.memory_space<hbm>>
      %dma_wait3A_167 = tpu.memref_squeeze %dma_wait3A_166 : memref<1x1x2x13x128xi32, #tpu.memory_space<hbm>> -> memref<2x13x128xi32, #tpu.memory_space<hbm>>
      %dma_wait3A_168 = arith.constant 0 : i32
      %dma_wait3A_169 = arith.constant 0 : i32
      %dma_wait3A_170 = arith.constant 0 : i32
      %dma_wait3A_171 = tpu.memref_slice %arg4[%add3A, %run_scoped3A_31, %dma_wait3A_168, %dma_wait3A_169, %dma_wait3A_170] : memref<32x3x2x13x128xi32, #tpu.memory_space<hbm>> -> memref<1x1x2x13x128xi32, #tpu.memory_space<hbm>>
      %dma_wait3A_172 = tpu.memref_squeeze %dma_wait3A_171 : memref<1x1x2x13x128xi32, #tpu.memory_space<hbm>> -> memref<2x13x128xi32, #tpu.memory_space<hbm>>
      tpu.wait_dma2 semaphore(%run_scoped3A_152 : memref<!tpu.dma_semaphore, #tpu.memory_space<semaphore_mem>>) src(%dma_wait3A_172 : memref<2x13x128xi32, #tpu.memory_space<hbm>>) dst(%arg9 : memref<2x13x128xi32, #tpu.memory_space<vmem>>)
      tpu.yield
    }) : () -> ()
    %dma_start3A = arith.constant 0 : i32
    %dma_start3A_32 = arith.constant 0 : i32
    %dma_start3A_33 = arith.constant 0 : i32
    %dma_start3A_34 = arith.constant 0 : i32
    %dma_start3A_35 = arith.constant 0 : i32
    %dma_start3A_36 = tpu.memref_slice %arg10[%dma_start3A_33, %dma_start3A_34, %dma_start3A_35] : memref<2x128x128xf32, #tpu.memory_space<vmem>> -> memref<1x128x128xf32, #tpu.memory_space<vmem>>
    %dma_start3A_37 = tpu.memref_squeeze %dma_start3A_36 : memref<1x128x128xf32, #tpu.memory_space<vmem>> -> memref<128x128xf32, #tpu.memory_space<vmem>>
    %dma_start3A_38 = arith.constant 0 : i32
    %dma_start3A_39 = tpu.memref_slice %arg8[%dma_start3A, %dma_start3A_32, %dma_start3A_38] : memref<2x13x128xi32, #tpu.memory_space<vmem>> -> memref<1x1x128xi32, #tpu.memory_space<vmem>>
    %dma_start3A_40 = tpu.memref_squeeze %dma_start3A_39 : memref<1x1x128xi32, #tpu.memory_space<vmem>> -> memref<128xi32, #tpu.memory_space<vmem>>
    %dma_start3A_41 = arith.constant 0 : i32
    %dma_start3A_42 = arith.constant 0 : i32
    %dma_start3A_43 = tpu.memref_slice %arg2[%dma_start3A_41, %dma_start3A_42] : memref<10000x128xf32, #tpu.memory_space<hbm>> -> memref<10000x128xf32, #tpu.memory_space<hbm>>
    tpu.enqueue_indirect_dma source(%dma_start3A_43 : memref<10000x128xf32, #tpu.memory_space<hbm>>) target(%dma_start3A_37 : memref<128x128xf32, #tpu.memory_space<vmem>>) offsets(%dma_start3A_40 : memref<128xi32, #tpu.memory_space<vmem>>) semaphore(%arg14 : memref<!tpu.dma_semaphore, #tpu.memory_space<semaphore_mem>>)
    %dma_start3A_44 = arith.constant 1 : i32
    %dma_start3A_45 = arith.constant 0 : i32
    %dma_start3A_46 = arith.constant 1 : i32
    %dma_start3A_47 = arith.constant 0 : i32
    %dma_start3A_48 = arith.constant 0 : i32
    %dma_start3A_49 = tpu.memref_slice %arg10[%dma_start3A_46, %dma_start3A_47, %dma_start3A_48] : memref<2x128x128xf32, #tpu.memory_space<vmem>> -> memref<1x128x128xf32, #tpu.memory_space<vmem>>
    %dma_start3A_50 = tpu.memref_squeeze %dma_start3A_49 : memref<1x128x128xf32, #tpu.memory_space<vmem>> -> memref<128x128xf32, #tpu.memory_space<vmem>>
    %dma_start3A_51 = arith.constant 0 : i32
    %dma_start3A_52 = tpu.memref_slice %arg8[%dma_start3A_44, %dma_start3A_45, %dma_start3A_51] : memref<2x13x128xi32, #tpu.memory_space<vmem>> -> memref<1x1x128xi32, #tpu.memory_space<vmem>>
    %dma_start3A_53 = tpu.memref_squeeze %dma_start3A_52 : memref<1x1x128xi32, #tpu.memory_space<vmem>> -> memref<128xi32, #tpu.memory_space<vmem>>
    %dma_start3A_54 = arith.constant 0 : i32
    %dma_start3A_55 = arith.constant 0 : i32
    %dma_start3A_56 = tpu.memref_slice %arg2[%dma_start3A_54, %dma_start3A_55] : memref<10000x128xf32, #tpu.memory_space<hbm>> -> memref<10000x128xf32, #tpu.memory_space<hbm>>
    tpu.enqueue_indirect_dma source(%dma_start3A_56 : memref<10000x128xf32, #tpu.memory_space<hbm>>) target(%dma_start3A_50 : memref<128x128xf32, #tpu.memory_space<vmem>>) offsets(%dma_start3A_53 : memref<128xi32, #tpu.memory_space<vmem>>) semaphore(%arg15 : memref<!tpu.dma_semaphore, #tpu.memory_space<semaphore_mem>>)
    %scan3A_57 = arith.constant 0 : i32
    %scan3A_58 = arith.constant 0 : i32
    %scan3A_59 = arith.constant 13 : i32
    %scan3A_60 = arith.addi %scan3A_58, %scan3A_59 : i32
    %scan3A_61 = arith.constant 1 : i32
    scf.for %scan3A_152 = %scan3A_58 to %scan3A_60 step %scan3A_61  : i32 {
      %lt3A = arith.constant 13 : i32
      %lt3A_153 = arith.cmpi slt, %scan3A_152, %lt3A : i32
      %convert_element_type3A = arith.extui %lt3A_153 : i1 to i32
      %cond3A = arith.constant 0 : i32
      %cond3A_154 = arith.cmpi ne, %convert_element_type3A, %cond3A : i32
      scf.if %cond3A_154 {
        %dma_wait3A_160 = arith.constant 0 : i32
        %dma_wait3A_161 = arith.constant 0 : i32
        %dma_wait3A_162 = arith.constant 0 : i32
        %dma_wait3A_163 = tpu.memref_slice %arg10[%dma_wait3A_160, %dma_wait3A_161, %dma_wait3A_162] : memref<2x128x128xf32, #tpu.memory_space<vmem>> -> memref<1x128x128xf32, #tpu.memory_space<vmem>>
        %dma_wait3A_164 = tpu.memref_squeeze %dma_wait3A_163 : memref<1x128x128xf32, #tpu.memory_space<vmem>> -> memref<128x128xf32, #tpu.memory_space<vmem>>
        %dma_wait3A_165 = arith.constant 0 : i32
        %dma_wait3A_166 = arith.constant 0 : i32
        %dma_wait3A_167 = tpu.memref_slice %arg2[%dma_wait3A_165, %dma_wait3A_166] : memref<10000x128xf32, #tpu.memory_space<hbm>> -> memref<128x128xf32, #tpu.memory_space<hbm>>
        %dma_wait3A_168 = arith.constant 0 : i32
        %dma_wait3A_169 = arith.constant 0 : i32
        %dma_wait3A_170 = tpu.memref_slice %arg10[%dma_wait3A_160, %dma_wait3A_168, %dma_wait3A_169] : memref<2x128x128xf32, #tpu.memory_space<vmem>> -> memref<1x128x128xf32, #tpu.memory_space<vmem>>
        %dma_wait3A_171 = tpu.memref_squeeze %dma_wait3A_170 : memref<1x128x128xf32, #tpu.memory_space<vmem>> -> memref<128x128xf32, #tpu.memory_space<vmem>>
        %dma_wait3A_172 = arith.constant 0 : i32
        %dma_wait3A_173 = arith.constant 0 : i32
        %dma_wait3A_174 = tpu.memref_slice %arg2[%dma_wait3A_172, %dma_wait3A_173] : memref<10000x128xf32, #tpu.memory_space<hbm>> -> memref<128x128xf32, #tpu.memory_space<hbm>>
        tpu.wait_dma2 semaphore(%arg14 : memref<!tpu.dma_semaphore, #tpu.memory_space<semaphore_mem>>) src(%dma_wait3A_174 : memref<128x128xf32, #tpu.memory_space<hbm>>) dst(%dma_wait3A_171 : memref<128x128xf32, #tpu.memory_space<vmem>>)
        %dma_start3A_175 = arith.constant 0 : i32
        %dma_start3A_176 = arith.constant 0 : i32
        %dma_start3A_177 = arith.constant 0 : i32
        %dma_start3A_178 = arith.constant 0 : i32
        %dma_start3A_179 = tpu.memref_slice %arg10[%dma_start3A_175, %dma_start3A_177, %dma_start3A_178] : memref<2x128x128xf32, #tpu.memory_space<vmem>> -> memref<1x128x128xf32, #tpu.memory_space<vmem>>
        %dma_start3A_180 = tpu.memref_squeeze %dma_start3A_179 : memref<1x128x128xf32, #tpu.memory_space<vmem>> -> memref<128x128xf32, #tpu.memory_space<vmem>>
        %dma_start3A_181 = arith.constant 0 : i32
        %dma_start3A_182 = tpu.memref_slice %arg9[%dma_start3A_176, %scan3A_152, %dma_start3A_181] : memref<2x13x128xi32, #tpu.memory_space<vmem>> -> memref<1x1x128xi32, #tpu.memory_space<vmem>>
        %dma_start3A_183 = tpu.memref_squeeze %dma_start3A_182 : memref<1x1x128xi32, #tpu.memory_space<vmem>> -> memref<128xi32, #tpu.memory_space<vmem>>
        %dma_start3A_184 = arith.constant 0 : i32
        %dma_start3A_185 = arith.constant 0 : i32
        %dma_start3A_186 = tpu.memref_slice %arg13[%dma_start3A_184, %dma_start3A_185] : memref<10112x128xf32, #tpu.memory_space<vmem_shared>> -> memref<10112x128xf32, #tpu.memory_space<vmem_shared>>
        tpu.enqueue_indirect_dma source(%dma_start3A_180 : memref<128x128xf32, #tpu.memory_space<vmem>>) target(%dma_start3A_186 : memref<10112x128xf32, #tpu.memory_space<vmem_shared>>) offsets(%dma_start3A_183 : memref<128xi32, #tpu.memory_space<vmem>>) semaphore(%arg16 : memref<!tpu.dma_semaphore, #tpu.memory_space<semaphore_mem>>) {add = true}
        %dma_wait3A_187 = arith.constant 0 : i32
        %dma_wait3A_188 = arith.constant 0 : i32
        %dma_wait3A_189 = arith.constant 0 : i32
        %dma_wait3A_190 = tpu.memref_slice %arg10[%dma_wait3A_187, %dma_wait3A_188, %dma_wait3A_189] : memref<2x128x128xf32, #tpu.memory_space<vmem>> -> memref<1x128x128xf32, #tpu.memory_space<vmem>>
        %dma_wait3A_191 = tpu.memref_squeeze %dma_wait3A_190 : memref<1x128x128xf32, #tpu.memory_space<vmem>> -> memref<128x128xf32, #tpu.memory_space<vmem>>
        %dma_wait3A_192 = arith.constant 0 : i32
        %dma_wait3A_193 = arith.constant 0 : i32
        %dma_wait3A_194 = tpu.memref_slice %arg2[%dma_wait3A_192, %dma_wait3A_193] : memref<10000x128xf32, #tpu.memory_space<hbm>> -> memref<128x128xf32, #tpu.memory_space<hbm>>
        %dma_wait3A_195 = arith.constant 0 : i32
        %dma_wait3A_196 = arith.constant 0 : i32
        %dma_wait3A_197 = tpu.memref_slice %arg10[%dma_wait3A_187, %dma_wait3A_195, %dma_wait3A_196] : memref<2x128x128xf32, #tpu.memory_space<vmem>> -> memref<1x128x128xf32, #tpu.memory_space<vmem>>
        %dma_wait3A_198 = tpu.memref_squeeze %dma_wait3A_197 : memref<1x128x128xf32, #tpu.memory_space<vmem>> -> memref<128x128xf32, #tpu.memory_space<vmem>>
        %dma_wait3A_199 = arith.constant 0 : i32
        %dma_wait3A_200 = arith.constant 0 : i32
        %dma_wait3A_201 = tpu.memref_slice %arg2[%dma_wait3A_199, %dma_wait3A_200] : memref<10000x128xf32, #tpu.memory_space<hbm>> -> memref<128x128xf32, #tpu.memory_space<hbm>>
        tpu.wait_dma2 semaphore(%arg16 : memref<!tpu.dma_semaphore, #tpu.memory_space<semaphore_mem>>) src(%dma_wait3A_201 : memref<128x128xf32, #tpu.memory_space<hbm>>) dst(%dma_wait3A_198 : memref<128x128xf32, #tpu.memory_space<vmem>>)
        %add3A_202 = arith.constant 1 : i32
        %add3A_203 = arith.addi %scan3A_152, %add3A_202 : i32
        %lt3A_204 = arith.constant 13 : i32
        %lt3A_205 = arith.cmpi slt, %add3A_203, %lt3A_204 : i32
        %convert_element_type3A_206 = arith.extui %lt3A_205 : i1 to i32
        %cond3A_207 = arith.constant 0 : i32
        %cond3A_208 = arith.cmpi ne, %convert_element_type3A_206, %cond3A_207 : i32
        scf.if %cond3A_208 {
          %add3A_209 = arith.constant 1 : i32
          %add3A_210 = arith.addi %scan3A_152, %add3A_209 : i32
          %dma_start3A_211 = arith.constant 0 : i32
          %dma_start3A_212 = arith.constant 0 : i32
          %dma_start3A_213 = arith.constant 0 : i32
          %dma_start3A_214 = arith.constant 0 : i32
          %dma_start3A_215 = tpu.memref_slice %arg10[%dma_start3A_212, %dma_start3A_213, %dma_start3A_214] : memref<2x128x128xf32, #tpu.memory_space<vmem>> -> memref<1x128x128xf32, #tpu.memory_space<vmem>>
          %dma_start3A_216 = tpu.memref_squeeze %dma_start3A_215 : memref<1x128x128xf32, #tpu.memory_space<vmem>> -> memref<128x128xf32, #tpu.memory_space<vmem>>
          %dma_start3A_217 = arith.constant 0 : i32
          %dma_start3A_218 = tpu.memref_slice %arg8[%dma_start3A_211, %add3A_210, %dma_start3A_217] : memref<2x13x128xi32, #tpu.memory_space<vmem>> -> memref<1x1x128xi32, #tpu.memory_space<vmem>>
          %dma_start3A_219 = tpu.memref_squeeze %dma_start3A_218 : memref<1x1x128xi32, #tpu.memory_space<vmem>> -> memref<128xi32, #tpu.memory_space<vmem>>
          %dma_start3A_220 = arith.constant 0 : i32
          %dma_start3A_221 = arith.constant 0 : i32
          %dma_start3A_222 = tpu.memref_slice %arg2[%dma_start3A_220, %dma_start3A_221] : memref<10000x128xf32, #tpu.memory_space<hbm>> -> memref<10000x128xf32, #tpu.memory_space<hbm>>
          tpu.enqueue_indirect_dma source(%dma_start3A_222 : memref<10000x128xf32, #tpu.memory_space<hbm>>) target(%dma_start3A_216 : memref<128x128xf32, #tpu.memory_space<vmem>>) offsets(%dma_start3A_219 : memref<128xi32, #tpu.memory_space<vmem>>) semaphore(%arg14 : memref<!tpu.dma_semaphore, #tpu.memory_space<semaphore_mem>>)
        } else {
        }
      } else {
      }
      %lt3A_155 = arith.constant 13 : i32
      %lt3A_156 = arith.cmpi slt, %scan3A_152, %lt3A_155 : i32
      %convert_element_type3A_157 = arith.extui %lt3A_156 : i1 to i32
      %cond3A_158 = arith.constant 0 : i32
      %cond3A_159 = arith.cmpi ne, %convert_element_type3A_157, %cond3A_158 : i32
      scf.if %cond3A_159 {
        %dma_wait3A_160 = arith.constant 1 : i32
        %dma_wait3A_161 = arith.constant 0 : i32
        %dma_wait3A_162 = arith.constant 0 : i32
        %dma_wait3A_163 = tpu.memref_slice %arg10[%dma_wait3A_160, %dma_wait3A_161, %dma_wait3A_162] : memref<2x128x128xf32, #tpu.memory_space<vmem>> -> memref<1x128x128xf32, #tpu.memory_space<vmem>>
        %dma_wait3A_164 = tpu.memref_squeeze %dma_wait3A_163 : memref<1x128x128xf32, #tpu.memory_space<vmem>> -> memref<128x128xf32, #tpu.memory_space<vmem>>
        %dma_wait3A_165 = arith.constant 0 : i32
        %dma_wait3A_166 = arith.constant 0 : i32
        %dma_wait3A_167 = tpu.memref_slice %arg2[%dma_wait3A_165, %dma_wait3A_166] : memref<10000x128xf32, #tpu.memory_space<hbm>> -> memref<128x128xf32, #tpu.memory_space<hbm>>
        %dma_wait3A_168 = arith.constant 0 : i32
        %dma_wait3A_169 = arith.constant 0 : i32
        %dma_wait3A_170 = tpu.memref_slice %arg10[%dma_wait3A_160, %dma_wait3A_168, %dma_wait3A_169] : memref<2x128x128xf32, #tpu.memory_space<vmem>> -> memref<1x128x128xf32, #tpu.memory_space<vmem>>
        %dma_wait3A_171 = tpu.memref_squeeze %dma_wait3A_170 : memref<1x128x128xf32, #tpu.memory_space<vmem>> -> memref<128x128xf32, #tpu.memory_space<vmem>>
        %dma_wait3A_172 = arith.constant 0 : i32
        %dma_wait3A_173 = arith.constant 0 : i32
        %dma_wait3A_174 = tpu.memref_slice %arg2[%dma_wait3A_172, %dma_wait3A_173] : memref<10000x128xf32, #tpu.memory_space<hbm>> -> memref<128x128xf32, #tpu.memory_space<hbm>>
        tpu.wait_dma2 semaphore(%arg15 : memref<!tpu.dma_semaphore, #tpu.memory_space<semaphore_mem>>) src(%dma_wait3A_174 : memref<128x128xf32, #tpu.memory_space<hbm>>) dst(%dma_wait3A_171 : memref<128x128xf32, #tpu.memory_space<vmem>>)
        %dma_start3A_175 = arith.constant 1 : i32
        %dma_start3A_176 = arith.constant 1 : i32
        %dma_start3A_177 = arith.constant 0 : i32
        %dma_start3A_178 = arith.constant 0 : i32
        %dma_start3A_179 = tpu.memref_slice %arg10[%dma_start3A_175, %dma_start3A_177, %dma_start3A_178] : memref<2x128x128xf32, #tpu.memory_space<vmem>> -> memref<1x128x128xf32, #tpu.memory_space<vmem>>
        %dma_start3A_180 = tpu.memref_squeeze %dma_start3A_179 : memref<1x128x128xf32, #tpu.memory_space<vmem>> -> memref<128x128xf32, #tpu.memory_space<vmem>>
        %dma_start3A_181 = arith.constant 0 : i32
        %dma_start3A_182 = tpu.memref_slice %arg9[%dma_start3A_176, %scan3A_152, %dma_start3A_181] : memref<2x13x128xi32, #tpu.memory_space<vmem>> -> memref<1x1x128xi32, #tpu.memory_space<vmem>>
        %dma_start3A_183 = tpu.memref_squeeze %dma_start3A_182 : memref<1x1x128xi32, #tpu.memory_space<vmem>> -> memref<128xi32, #tpu.memory_space<vmem>>
        %dma_start3A_184 = arith.constant 0 : i32
        %dma_start3A_185 = arith.constant 0 : i32
        %dma_start3A_186 = tpu.memref_slice %arg13[%dma_start3A_184, %dma_start3A_185] : memref<10112x128xf32, #tpu.memory_space<vmem_shared>> -> memref<10112x128xf32, #tpu.memory_space<vmem_shared>>
        tpu.enqueue_indirect_dma source(%dma_start3A_180 : memref<128x128xf32, #tpu.memory_space<vmem>>) target(%dma_start3A_186 : memref<10112x128xf32, #tpu.memory_space<vmem_shared>>) offsets(%dma_start3A_183 : memref<128xi32, #tpu.memory_space<vmem>>) semaphore(%arg17 : memref<!tpu.dma_semaphore, #tpu.memory_space<semaphore_mem>>) {add = true}
        %dma_wait3A_187 = arith.constant 1 : i32
        %dma_wait3A_188 = arith.constant 0 : i32
        %dma_wait3A_189 = arith.constant 0 : i32
        %dma_wait3A_190 = tpu.memref_slice %arg10[%dma_wait3A_187, %dma_wait3A_188, %dma_wait3A_189] : memref<2x128x128xf32, #tpu.memory_space<vmem>> -> memref<1x128x128xf32, #tpu.memory_space<vmem>>
        %dma_wait3A_191 = tpu.memref_squeeze %dma_wait3A_190 : memref<1x128x128xf32, #tpu.memory_space<vmem>> -> memref<128x128xf32, #tpu.memory_space<vmem>>
        %dma_wait3A_192 = arith.constant 0 : i32
        %dma_wait3A_193 = arith.constant 0 : i32
        %dma_wait3A_194 = tpu.memref_slice %arg2[%dma_wait3A_192, %dma_wait3A_193] : memref<10000x128xf32, #tpu.memory_space<hbm>> -> memref<128x128xf32, #tpu.memory_space<hbm>>
        %dma_wait3A_195 = arith.constant 0 : i32
        %dma_wait3A_196 = arith.constant 0 : i32
        %dma_wait3A_197 = tpu.memref_slice %arg10[%dma_wait3A_187, %dma_wait3A_195, %dma_wait3A_196] : memref<2x128x128xf32, #tpu.memory_space<vmem>> -> memref<1x128x128xf32, #tpu.memory_space<vmem>>
        %dma_wait3A_198 = tpu.memref_squeeze %dma_wait3A_197 : memref<1x128x128xf32, #tpu.memory_space<vmem>> -> memref<128x128xf32, #tpu.memory_space<vmem>>
        %dma_wait3A_199 = arith.constant 0 : i32
        %dma_wait3A_200 = arith.constant 0 : i32
        %dma_wait3A_201 = tpu.memref_slice %arg2[%dma_wait3A_199, %dma_wait3A_200] : memref<10000x128xf32, #tpu.memory_space<hbm>> -> memref<128x128xf32, #tpu.memory_space<hbm>>
        tpu.wait_dma2 semaphore(%arg17 : memref<!tpu.dma_semaphore, #tpu.memory_space<semaphore_mem>>) src(%dma_wait3A_201 : memref<128x128xf32, #tpu.memory_space<hbm>>) dst(%dma_wait3A_198 : memref<128x128xf32, #tpu.memory_space<vmem>>)
        %add3A_202 = arith.constant 1 : i32
        %add3A_203 = arith.addi %scan3A_152, %add3A_202 : i32
        %lt3A_204 = arith.constant 13 : i32
        %lt3A_205 = arith.cmpi slt, %add3A_203, %lt3A_204 : i32
        %convert_element_type3A_206 = arith.extui %lt3A_205 : i1 to i32
        %cond3A_207 = arith.constant 0 : i32
        %cond3A_208 = arith.cmpi ne, %convert_element_type3A_206, %cond3A_207 : i32
        scf.if %cond3A_208 {
          %add3A_209 = arith.constant 1 : i32
          %add3A_210 = arith.addi %scan3A_152, %add3A_209 : i32
          %dma_start3A_211 = arith.constant 1 : i32
          %dma_start3A_212 = arith.constant 1 : i32
          %dma_start3A_213 = arith.constant 0 : i32
          %dma_start3A_214 = arith.constant 0 : i32
          %dma_start3A_215 = tpu.memref_slice %arg10[%dma_start3A_212, %dma_start3A_213, %dma_start3A_214] : memref<2x128x128xf32, #tpu.memory_space<vmem>> -> memref<1x128x128xf32, #tpu.memory_space<vmem>>
          %dma_start3A_216 = tpu.memref_squeeze %dma_start3A_215 : memref<1x128x128xf32, #tpu.memory_space<vmem>> -> memref<128x128xf32, #tpu.memory_space<vmem>>
          %dma_start3A_217 = arith.constant 0 : i32
          %dma_start3A_218 = tpu.memref_slice %arg8[%dma_start3A_211, %add3A_210, %dma_start3A_217] : memref<2x13x128xi32, #tpu.memory_space<vmem>> -> memref<1x1x128xi32, #tpu.memory_space<vmem>>
          %dma_start3A_219 = tpu.memref_squeeze %dma_start3A_218 : memref<1x1x128xi32, #tpu.memory_space<vmem>> -> memref<128xi32, #tpu.memory_space<vmem>>
          %dma_start3A_220 = arith.constant 0 : i32
          %dma_start3A_221 = arith.constant 0 : i32
          %dma_start3A_222 = tpu.memref_slice %arg2[%dma_start3A_220, %dma_start3A_221] : memref<10000x128xf32, #tpu.memory_space<hbm>> -> memref<10000x128xf32, #tpu.memory_space<hbm>>
          tpu.enqueue_indirect_dma source(%dma_start3A_222 : memref<10000x128xf32, #tpu.memory_space<hbm>>) target(%dma_start3A_216 : memref<128x128xf32, #tpu.memory_space<vmem>>) offsets(%dma_start3A_219 : memref<128xi32, #tpu.memory_space<vmem>>) semaphore(%arg15 : memref<!tpu.dma_semaphore, #tpu.memory_space<semaphore_mem>>)
        } else {
        }
      } else {
      }
    }
    %scan3A_62 = arith.constant 13 : i32
    %run_scoped3A_63 = arith.constant 1 : i32
    "tpu.region"() ({
      %run_scoped3A_152 = tpu.sem_alloc : memref<!tpu.dma_semaphore, #tpu.memory_space<semaphore_mem>>
      %dma_start3A_153 = arith.constant 0 : i32
      %dma_start3A_154 = arith.constant 0 : i32
      %dma_start3A_155 = arith.constant 0 : i32
      %dma_start3A_156 = tpu.memref_slice %arg3[%add3A, %run_scoped3A_63, %dma_start3A_153, %dma_start3A_154, %dma_start3A_155] : memref<32x3x2x13x128xi32, #tpu.memory_space<hbm>> -> memref<1x1x2x13x128xi32, #tpu.memory_space<hbm>>
      %dma_start3A_157 = tpu.memref_squeeze %dma_start3A_156 : memref<1x1x2x13x128xi32, #tpu.memory_space<hbm>> -> memref<2x13x128xi32, #tpu.memory_space<hbm>>
      %dma_start3A_158 = arith.constant 0 : i32
      %dma_start3A_159 = arith.constant 0 : i32
      %dma_start3A_160 = arith.constant 0 : i32
      %dma_start3A_161 = tpu.memref_slice %arg3[%add3A, %run_scoped3A_63, %dma_start3A_158, %dma_start3A_159, %dma_start3A_160] : memref<32x3x2x13x128xi32, #tpu.memory_space<hbm>> -> memref<1x1x2x13x128xi32, #tpu.memory_space<hbm>>
      %dma_start3A_162 = tpu.memref_squeeze %dma_start3A_161 : memref<1x1x2x13x128xi32, #tpu.memory_space<hbm>> -> memref<2x13x128xi32, #tpu.memory_space<hbm>>
      tpu.enqueue_dma source(%dma_start3A_162 : memref<2x13x128xi32, #tpu.memory_space<hbm>>) target(%arg8 : memref<2x13x128xi32, #tpu.memory_space<vmem>>) target_semaphore(%run_scoped3A_152 : memref<!tpu.dma_semaphore, #tpu.memory_space<semaphore_mem>>)
      %dma_wait3A_163 = arith.constant 0 : i32
      %dma_wait3A_164 = arith.constant 0 : i32
      %dma_wait3A_165 = arith.constant 0 : i32
      %dma_wait3A_166 = tpu.memref_slice %arg3[%add3A, %run_scoped3A_63, %dma_wait3A_163, %dma_wait3A_164, %dma_wait3A_165] : memref<32x3x2x13x128xi32, #tpu.memory_space<hbm>> -> memref<1x1x2x13x128xi32, #tpu.memory_space<hbm>>
      %dma_wait3A_167 = tpu.memref_squeeze %dma_wait3A_166 : memref<1x1x2x13x128xi32, #tpu.memory_space<hbm>> -> memref<2x13x128xi32, #tpu.memory_space<hbm>>
      %dma_wait3A_168 = arith.constant 0 : i32
      %dma_wait3A_169 = arith.constant 0 : i32
      %dma_wait3A_170 = arith.constant 0 : i32
      %dma_wait3A_171 = tpu.memref_slice %arg3[%add3A, %run_scoped3A_63, %dma_wait3A_168, %dma_wait3A_169, %dma_wait3A_170] : memref<32x3x2x13x128xi32, #tpu.memory_space<hbm>> -> memref<1x1x2x13x128xi32, #tpu.memory_space<hbm>>
      %dma_wait3A_172 = tpu.memref_squeeze %dma_wait3A_171 : memref<1x1x2x13x128xi32, #tpu.memory_space<hbm>> -> memref<2x13x128xi32, #tpu.memory_space<hbm>>
      tpu.wait_dma2 semaphore(%run_scoped3A_152 : memref<!tpu.dma_semaphore, #tpu.memory_space<semaphore_mem>>) src(%dma_wait3A_172 : memref<2x13x128xi32, #tpu.memory_space<hbm>>) dst(%arg8 : memref<2x13x128xi32, #tpu.memory_space<vmem>>)
      tpu.yield
    }) : () -> ()
    %run_scoped3A_64 = arith.constant 1 : i32
    "tpu.region"() ({
      %run_scoped3A_152 = tpu.sem_alloc : memref<!tpu.dma_semaphore, #tpu.memory_space<semaphore_mem>>
      %dma_start3A_153 = arith.constant 0 : i32
      %dma_start3A_154 = arith.constant 0 : i32
      %dma_start3A_155 = arith.constant 0 : i32
      %dma_start3A_156 = tpu.memref_slice %arg4[%add3A, %run_scoped3A_64, %dma_start3A_153, %dma_start3A_154, %dma_start3A_155] : memref<32x3x2x13x128xi32, #tpu.memory_space<hbm>> -> memref<1x1x2x13x128xi32, #tpu.memory_space<hbm>>
      %dma_start3A_157 = tpu.memref_squeeze %dma_start3A_156 : memref<1x1x2x13x128xi32, #tpu.memory_space<hbm>> -> memref<2x13x128xi32, #tpu.memory_space<hbm>>
      %dma_start3A_158 = arith.constant 0 : i32
      %dma_start3A_159 = arith.constant 0 : i32
      %dma_start3A_160 = arith.constant 0 : i32
      %dma_start3A_161 = tpu.memref_slice %arg4[%add3A, %run_scoped3A_64, %dma_start3A_158, %dma_start3A_159, %dma_start3A_160] : memref<32x3x2x13x128xi32, #tpu.memory_space<hbm>> -> memref<1x1x2x13x128xi32, #tpu.memory_space<hbm>>
      %dma_start3A_162 = tpu.memref_squeeze %dma_start3A_161 : memref<1x1x2x13x128xi32, #tpu.memory_space<hbm>> -> memref<2x13x128xi32, #tpu.memory_space<hbm>>
      tpu.enqueue_dma source(%dma_start3A_162 : memref<2x13x128xi32, #tpu.memory_space<hbm>>) target(%arg9 : memref<2x13x128xi32, #tpu.memory_space<vmem>>) target_semaphore(%run_scoped3A_152 : memref<!tpu.dma_semaphore, #tpu.memory_space<semaphore_mem>>)
      %dma_wait3A_163 = arith.constant 0 : i32
      %dma_wait3A_164 = arith.constant 0 : i32
      %dma_wait3A_165 = arith.constant 0 : i32
      %dma_wait3A_166 = tpu.memref_slice %arg4[%add3A, %run_scoped3A_64, %dma_wait3A_163, %dma_wait3A_164, %dma_wait3A_165] : memref<32x3x2x13x128xi32, #tpu.memory_space<hbm>> -> memref<1x1x2x13x128xi32, #tpu.memory_space<hbm>>
      %dma_wait3A_167 = tpu.memref_squeeze %dma_wait3A_166 : memref<1x1x2x13x128xi32, #tpu.memory_space<hbm>> -> memref<2x13x128xi32, #tpu.memory_space<hbm>>
      %dma_wait3A_168 = arith.constant 0 : i32
      %dma_wait3A_169 = arith.constant 0 : i32
      %dma_wait3A_170 = arith.constant 0 : i32
      %dma_wait3A_171 = tpu.memref_slice %arg4[%add3A, %run_scoped3A_64, %dma_wait3A_168, %dma_wait3A_169, %dma_wait3A_170] : memref<32x3x2x13x128xi32, #tpu.memory_space<hbm>> -> memref<1x1x2x13x128xi32, #tpu.memory_space<hbm>>
      %dma_wait3A_172 = tpu.memref_squeeze %dma_wait3A_171 : memref<1x1x2x13x128xi32, #tpu.memory_space<hbm>> -> memref<2x13x128xi32, #tpu.memory_space<hbm>>
      tpu.wait_dma2 semaphore(%run_scoped3A_152 : memref<!tpu.dma_semaphore, #tpu.memory_space<semaphore_mem>>) src(%dma_wait3A_172 : memref<2x13x128xi32, #tpu.memory_space<hbm>>) dst(%arg9 : memref<2x13x128xi32, #tpu.memory_space<vmem>>)
      tpu.yield
    }) : () -> ()
    %dma_start3A_65 = arith.constant 0 : i32
    %dma_start3A_66 = arith.constant 0 : i32
    %dma_start3A_67 = arith.constant 0 : i32
    %dma_start3A_68 = arith.constant 0 : i32
    %dma_start3A_69 = arith.constant 0 : i32
    %dma_start3A_70 = tpu.memref_slice %arg10[%dma_start3A_67, %dma_start3A_68, %dma_start3A_69] : memref<2x128x128xf32, #tpu.memory_space<vmem>> -> memref<1x128x128xf32, #tpu.memory_space<vmem>>
    %dma_start3A_71 = tpu.memref_squeeze %dma_start3A_70 : memref<1x128x128xf32, #tpu.memory_space<vmem>> -> memref<128x128xf32, #tpu.memory_space<vmem>>
    %dma_start3A_72 = arith.constant 0 : i32
    %dma_start3A_73 = tpu.memref_slice %arg8[%dma_start3A_65, %dma_start3A_66, %dma_start3A_72] : memref<2x13x128xi32, #tpu.memory_space<vmem>> -> memref<1x1x128xi32, #tpu.memory_space<vmem>>
    %dma_start3A_74 = tpu.memref_squeeze %dma_start3A_73 : memref<1x1x128xi32, #tpu.memory_space<vmem>> -> memref<128xi32, #tpu.memory_space<vmem>>
    %dma_start3A_75 = arith.constant 0 : i32
    %dma_start3A_76 = arith.constant 0 : i32
    %dma_start3A_77 = tpu.memref_slice %arg2[%dma_start3A_75, %dma_start3A_76] : memref<10000x128xf32, #tpu.memory_space<hbm>> -> memref<10000x128xf32, #tpu.memory_space<hbm>>
    tpu.enqueue_indirect_dma source(%dma_start3A_77 : memref<10000x128xf32, #tpu.memory_space<hbm>>) target(%dma_start3A_71 : memref<128x128xf32, #tpu.memory_space<vmem>>) offsets(%dma_start3A_74 : memref<128xi32, #tpu.memory_space<vmem>>) semaphore(%arg14 : memref<!tpu.dma_semaphore, #tpu.memory_space<semaphore_mem>>)
    %dma_start3A_78 = arith.constant 1 : i32
    %dma_start3A_79 = arith.constant 0 : i32
    %dma_start3A_80 = arith.constant 1 : i32
    %dma_start3A_81 = arith.constant 0 : i32
    %dma_start3A_82 = arith.constant 0 : i32
    %dma_start3A_83 = tpu.memref_slice %arg10[%dma_start3A_80, %dma_start3A_81, %dma_start3A_82] : memref<2x128x128xf32, #tpu.memory_space<vmem>> -> memref<1x128x128xf32, #tpu.memory_space<vmem>>
    %dma_start3A_84 = tpu.memref_squeeze %dma_start3A_83 : memref<1x128x128xf32, #tpu.memory_space<vmem>> -> memref<128x128xf32, #tpu.memory_space<vmem>>
    %dma_start3A_85 = arith.constant 0 : i32
    %dma_start3A_86 = tpu.memref_slice %arg8[%dma_start3A_78, %dma_start3A_79, %dma_start3A_85] : memref<2x13x128xi32, #tpu.memory_space<vmem>> -> memref<1x1x128xi32, #tpu.memory_space<vmem>>
    %dma_start3A_87 = tpu.memref_squeeze %dma_start3A_86 : memref<1x1x128xi32, #tpu.memory_space<vmem>> -> memref<128xi32, #tpu.memory_space<vmem>>
    %dma_start3A_88 = arith.constant 0 : i32
    %dma_start3A_89 = arith.constant 0 : i32
    %dma_start3A_90 = tpu.memref_slice %arg2[%dma_start3A_88, %dma_start3A_89] : memref<10000x128xf32, #tpu.memory_space<hbm>> -> memref<10000x128xf32, #tpu.memory_space<hbm>>
    tpu.enqueue_indirect_dma source(%dma_start3A_90 : memref<10000x128xf32, #tpu.memory_space<hbm>>) target(%dma_start3A_84 : memref<128x128xf32, #tpu.memory_space<vmem>>) offsets(%dma_start3A_87 : memref<128xi32, #tpu.memory_space<vmem>>) semaphore(%arg15 : memref<!tpu.dma_semaphore, #tpu.memory_space<semaphore_mem>>)
    %scan3A_91 = arith.constant 0 : i32
    %scan3A_92 = arith.constant 0 : i32
    %scan3A_93 = arith.constant 13 : i32
    %scan3A_94 = arith.addi %scan3A_92, %scan3A_93 : i32
    %scan3A_95 = arith.constant 1 : i32
    scf.for %scan3A_152 = %scan3A_92 to %scan3A_94 step %scan3A_95  : i32 {
      %lt3A = arith.constant 13 : i32
      %lt3A_153 = arith.cmpi slt, %scan3A_152, %lt3A : i32
      %convert_element_type3A = arith.extui %lt3A_153 : i1 to i32
      %cond3A = arith.constant 0 : i32
      %cond3A_154 = arith.cmpi ne, %convert_element_type3A, %cond3A : i32
      scf.if %cond3A_154 {
        %dma_wait3A_160 = arith.constant 0 : i32
        %dma_wait3A_161 = arith.constant 0 : i32
        %dma_wait3A_162 = arith.constant 0 : i32
        %dma_wait3A_163 = tpu.memref_slice %arg10[%dma_wait3A_160, %dma_wait3A_161, %dma_wait3A_162] : memref<2x128x128xf32, #tpu.memory_space<vmem>> -> memref<1x128x128xf32, #tpu.memory_space<vmem>>
        %dma_wait3A_164 = tpu.memref_squeeze %dma_wait3A_163 : memref<1x128x128xf32, #tpu.memory_space<vmem>> -> memref<128x128xf32, #tpu.memory_space<vmem>>
        %dma_wait3A_165 = arith.constant 0 : i32
        %dma_wait3A_166 = arith.constant 0 : i32
        %dma_wait3A_167 = tpu.memref_slice %arg2[%dma_wait3A_165, %dma_wait3A_166] : memref<10000x128xf32, #tpu.memory_space<hbm>> -> memref<128x128xf32, #tpu.memory_space<hbm>>
        %dma_wait3A_168 = arith.constant 0 : i32
        %dma_wait3A_169 = arith.constant 0 : i32
        %dma_wait3A_170 = tpu.memref_slice %arg10[%dma_wait3A_160, %dma_wait3A_168, %dma_wait3A_169] : memref<2x128x128xf32, #tpu.memory_space<vmem>> -> memref<1x128x128xf32, #tpu.memory_space<vmem>>
        %dma_wait3A_171 = tpu.memref_squeeze %dma_wait3A_170 : memref<1x128x128xf32, #tpu.memory_space<vmem>> -> memref<128x128xf32, #tpu.memory_space<vmem>>
        %dma_wait3A_172 = arith.constant 0 : i32
        %dma_wait3A_173 = arith.constant 0 : i32
        %dma_wait3A_174 = tpu.memref_slice %arg2[%dma_wait3A_172, %dma_wait3A_173] : memref<10000x128xf32, #tpu.memory_space<hbm>> -> memref<128x128xf32, #tpu.memory_space<hbm>>
        tpu.wait_dma2 semaphore(%arg14 : memref<!tpu.dma_semaphore, #tpu.memory_space<semaphore_mem>>) src(%dma_wait3A_174 : memref<128x128xf32, #tpu.memory_space<hbm>>) dst(%dma_wait3A_171 : memref<128x128xf32, #tpu.memory_space<vmem>>)
        %dma_start3A_175 = arith.constant 0 : i32
        %dma_start3A_176 = arith.constant 0 : i32
        %dma_start3A_177 = arith.constant 0 : i32
        %dma_start3A_178 = arith.constant 0 : i32
        %dma_start3A_179 = tpu.memref_slice %arg10[%dma_start3A_175, %dma_start3A_177, %dma_start3A_178] : memref<2x128x128xf32, #tpu.memory_space<vmem>> -> memref<1x128x128xf32, #tpu.memory_space<vmem>>
        %dma_start3A_180 = tpu.memref_squeeze %dma_start3A_179 : memref<1x128x128xf32, #tpu.memory_space<vmem>> -> memref<128x128xf32, #tpu.memory_space<vmem>>
        %dma_start3A_181 = arith.constant 0 : i32
        %dma_start3A_182 = tpu.memref_slice %arg9[%dma_start3A_176, %scan3A_152, %dma_start3A_181] : memref<2x13x128xi32, #tpu.memory_space<vmem>> -> memref<1x1x128xi32, #tpu.memory_space<vmem>>
        %dma_start3A_183 = tpu.memref_squeeze %dma_start3A_182 : memref<1x1x128xi32, #tpu.memory_space<vmem>> -> memref<128xi32, #tpu.memory_space<vmem>>
        %dma_start3A_184 = arith.constant 0 : i32
        %dma_start3A_185 = arith.constant 0 : i32
        %dma_start3A_186 = tpu.memref_slice %arg13[%dma_start3A_184, %dma_start3A_185] : memref<10112x128xf32, #tpu.memory_space<vmem_shared>> -> memref<10112x128xf32, #tpu.memory_space<vmem_shared>>
        tpu.enqueue_indirect_dma source(%dma_start3A_180 : memref<128x128xf32, #tpu.memory_space<vmem>>) target(%dma_start3A_186 : memref<10112x128xf32, #tpu.memory_space<vmem_shared>>) offsets(%dma_start3A_183 : memref<128xi32, #tpu.memory_space<vmem>>) semaphore(%arg16 : memref<!tpu.dma_semaphore, #tpu.memory_space<semaphore_mem>>) {add = true}
        %dma_wait3A_187 = arith.constant 0 : i32
        %dma_wait3A_188 = arith.constant 0 : i32
        %dma_wait3A_189 = arith.constant 0 : i32
        %dma_wait3A_190 = tpu.memref_slice %arg10[%dma_wait3A_187, %dma_wait3A_188, %dma_wait3A_189] : memref<2x128x128xf32, #tpu.memory_space<vmem>> -> memref<1x128x128xf32, #tpu.memory_space<vmem>>
        %dma_wait3A_191 = tpu.memref_squeeze %dma_wait3A_190 : memref<1x128x128xf32, #tpu.memory_space<vmem>> -> memref<128x128xf32, #tpu.memory_space<vmem>>
        %dma_wait3A_192 = arith.constant 0 : i32
        %dma_wait3A_193 = arith.constant 0 : i32
        %dma_wait3A_194 = tpu.memref_slice %arg2[%dma_wait3A_192, %dma_wait3A_193] : memref<10000x128xf32, #tpu.memory_space<hbm>> -> memref<128x128xf32, #tpu.memory_space<hbm>>
        %dma_wait3A_195 = arith.constant 0 : i32
        %dma_wait3A_196 = arith.constant 0 : i32
        %dma_wait3A_197 = tpu.memref_slice %arg10[%dma_wait3A_187, %dma_wait3A_195, %dma_wait3A_196] : memref<2x128x128xf32, #tpu.memory_space<vmem>> -> memref<1x128x128xf32, #tpu.memory_space<vmem>>
        %dma_wait3A_198 = tpu.memref_squeeze %dma_wait3A_197 : memref<1x128x128xf32, #tpu.memory_space<vmem>> -> memref<128x128xf32, #tpu.memory_space<vmem>>
        %dma_wait3A_199 = arith.constant 0 : i32
        %dma_wait3A_200 = arith.constant 0 : i32
        %dma_wait3A_201 = tpu.memref_slice %arg2[%dma_wait3A_199, %dma_wait3A_200] : memref<10000x128xf32, #tpu.memory_space<hbm>> -> memref<128x128xf32, #tpu.memory_space<hbm>>
        tpu.wait_dma2 semaphore(%arg16 : memref<!tpu.dma_semaphore, #tpu.memory_space<semaphore_mem>>) src(%dma_wait3A_201 : memref<128x128xf32, #tpu.memory_space<hbm>>) dst(%dma_wait3A_198 : memref<128x128xf32, #tpu.memory_space<vmem>>)
        %add3A_202 = arith.constant 1 : i32
        %add3A_203 = arith.addi %scan3A_152, %add3A_202 : i32
        %lt3A_204 = arith.constant 13 : i32
        %lt3A_205 = arith.cmpi slt, %add3A_203, %lt3A_204 : i32
        %convert_element_type3A_206 = arith.extui %lt3A_205 : i1 to i32
        %cond3A_207 = arith.constant 0 : i32
        %cond3A_208 = arith.cmpi ne, %convert_element_type3A_206, %cond3A_207 : i32
        scf.if %cond3A_208 {
          %add3A_209 = arith.constant 1 : i32
          %add3A_210 = arith.addi %scan3A_152, %add3A_209 : i32
          %dma_start3A_211 = arith.constant 0 : i32
          %dma_start3A_212 = arith.constant 0 : i32
          %dma_start3A_213 = arith.constant 0 : i32
          %dma_start3A_214 = arith.constant 0 : i32
          %dma_start3A_215 = tpu.memref_slice %arg10[%dma_start3A_212, %dma_start3A_213, %dma_start3A_214] : memref<2x128x128xf32, #tpu.memory_space<vmem>> -> memref<1x128x128xf32, #tpu.memory_space<vmem>>
          %dma_start3A_216 = tpu.memref_squeeze %dma_start3A_215 : memref<1x128x128xf32, #tpu.memory_space<vmem>> -> memref<128x128xf32, #tpu.memory_space<vmem>>
          %dma_start3A_217 = arith.constant 0 : i32
          %dma_start3A_218 = tpu.memref_slice %arg8[%dma_start3A_211, %add3A_210, %dma_start3A_217] : memref<2x13x128xi32, #tpu.memory_space<vmem>> -> memref<1x1x128xi32, #tpu.memory_space<vmem>>
          %dma_start3A_219 = tpu.memref_squeeze %dma_start3A_218 : memref<1x1x128xi32, #tpu.memory_space<vmem>> -> memref<128xi32, #tpu.memory_space<vmem>>
          %dma_start3A_220 = arith.constant 0 : i32
          %dma_start3A_221 = arith.constant 0 : i32
          %dma_start3A_222 = tpu.memref_slice %arg2[%dma_start3A_220, %dma_start3A_221] : memref<10000x128xf32, #tpu.memory_space<hbm>> -> memref<10000x128xf32, #tpu.memory_space<hbm>>
          tpu.enqueue_indirect_dma source(%dma_start3A_222 : memref<10000x128xf32, #tpu.memory_space<hbm>>) target(%dma_start3A_216 : memref<128x128xf32, #tpu.memory_space<vmem>>) offsets(%dma_start3A_219 : memref<128xi32, #tpu.memory_space<vmem>>) semaphore(%arg14 : memref<!tpu.dma_semaphore, #tpu.memory_space<semaphore_mem>>)
        } else {
        }
      } else {
      }
      %lt3A_155 = arith.constant 13 : i32
      %lt3A_156 = arith.cmpi slt, %scan3A_152, %lt3A_155 : i32
      %convert_element_type3A_157 = arith.extui %lt3A_156 : i1 to i32
      %cond3A_158 = arith.constant 0 : i32
      %cond3A_159 = arith.cmpi ne, %convert_element_type3A_157, %cond3A_158 : i32
      scf.if %cond3A_159 {
        %dma_wait3A_160 = arith.constant 1 : i32
        %dma_wait3A_161 = arith.constant 0 : i32
        %dma_wait3A_162 = arith.constant 0 : i32
        %dma_wait3A_163 = tpu.memref_slice %arg10[%dma_wait3A_160, %dma_wait3A_161, %dma_wait3A_162] : memref<2x128x128xf32, #tpu.memory_space<vmem>> -> memref<1x128x128xf32, #tpu.memory_space<vmem>>
        %dma_wait3A_164 = tpu.memref_squeeze %dma_wait3A_163 : memref<1x128x128xf32, #tpu.memory_space<vmem>> -> memref<128x128xf32, #tpu.memory_space<vmem>>
        %dma_wait3A_165 = arith.constant 0 : i32
        %dma_wait3A_166 = arith.constant 0 : i32
        %dma_wait3A_167 = tpu.memref_slice %arg2[%dma_wait3A_165, %dma_wait3A_166] : memref<10000x128xf32, #tpu.memory_space<hbm>> -> memref<128x128xf32, #tpu.memory_space<hbm>>
        %dma_wait3A_168 = arith.constant 0 : i32
        %dma_wait3A_169 = arith.constant 0 : i32
        %dma_wait3A_170 = tpu.memref_slice %arg10[%dma_wait3A_160, %dma_wait3A_168, %dma_wait3A_169] : memref<2x128x128xf32, #tpu.memory_space<vmem>> -> memref<1x128x128xf32, #tpu.memory_space<vmem>>
        %dma_wait3A_171 = tpu.memref_squeeze %dma_wait3A_170 : memref<1x128x128xf32, #tpu.memory_space<vmem>> -> memref<128x128xf32, #tpu.memory_space<vmem>>
        %dma_wait3A_172 = arith.constant 0 : i32
        %dma_wait3A_173 = arith.constant 0 : i32
        %dma_wait3A_174 = tpu.memref_slice %arg2[%dma_wait3A_172, %dma_wait3A_173] : memref<10000x128xf32, #tpu.memory_space<hbm>> -> memref<128x128xf32, #tpu.memory_space<hbm>>
        tpu.wait_dma2 semaphore(%arg15 : memref<!tpu.dma_semaphore, #tpu.memory_space<semaphore_mem>>) src(%dma_wait3A_174 : memref<128x128xf32, #tpu.memory_space<hbm>>) dst(%dma_wait3A_171 : memref<128x128xf32, #tpu.memory_space<vmem>>)
        %dma_start3A_175 = arith.constant 1 : i32
        %dma_start3A_176 = arith.constant 1 : i32
        %dma_start3A_177 = arith.constant 0 : i32
        %dma_start3A_178 = arith.constant 0 : i32
        %dma_start3A_179 = tpu.memref_slice %arg10[%dma_start3A_175, %dma_start3A_177, %dma_start3A_178] : memref<2x128x128xf32, #tpu.memory_space<vmem>> -> memref<1x128x128xf32, #tpu.memory_space<vmem>>
        %dma_start3A_180 = tpu.memref_squeeze %dma_start3A_179 : memref<1x128x128xf32, #tpu.memory_space<vmem>> -> memref<128x128xf32, #tpu.memory_space<vmem>>
        %dma_start3A_181 = arith.constant 0 : i32
        %dma_start3A_182 = tpu.memref_slice %arg9[%dma_start3A_176, %scan3A_152, %dma_start3A_181] : memref<2x13x128xi32, #tpu.memory_space<vmem>> -> memref<1x1x128xi32, #tpu.memory_space<vmem>>
        %dma_start3A_183 = tpu.memref_squeeze %dma_start3A_182 : memref<1x1x128xi32, #tpu.memory_space<vmem>> -> memref<128xi32, #tpu.memory_space<vmem>>
        %dma_start3A_184 = arith.constant 0 : i32
        %dma_start3A_185 = arith.constant 0 : i32
        %dma_start3A_186 = tpu.memref_slice %arg13[%dma_start3A_184, %dma_start3A_185] : memref<10112x128xf32, #tpu.memory_space<vmem_shared>> -> memref<10112x128xf32, #tpu.memory_space<vmem_shared>>
        tpu.enqueue_indirect_dma source(%dma_start3A_180 : memref<128x128xf32, #tpu.memory_space<vmem>>) target(%dma_start3A_186 : memref<10112x128xf32, #tpu.memory_space<vmem_shared>>) offsets(%dma_start3A_183 : memref<128xi32, #tpu.memory_space<vmem>>) semaphore(%arg17 : memref<!tpu.dma_semaphore, #tpu.memory_space<semaphore_mem>>) {add = true}
        %dma_wait3A_187 = arith.constant 1 : i32
        %dma_wait3A_188 = arith.constant 0 : i32
        %dma_wait3A_189 = arith.constant 0 : i32
        %dma_wait3A_190 = tpu.memref_slice %arg10[%dma_wait3A_187, %dma_wait3A_188, %dma_wait3A_189] : memref<2x128x128xf32, #tpu.memory_space<vmem>> -> memref<1x128x128xf32, #tpu.memory_space<vmem>>
        %dma_wait3A_191 = tpu.memref_squeeze %dma_wait3A_190 : memref<1x128x128xf32, #tpu.memory_space<vmem>> -> memref<128x128xf32, #tpu.memory_space<vmem>>
        %dma_wait3A_192 = arith.constant 0 : i32
        %dma_wait3A_193 = arith.constant 0 : i32
        %dma_wait3A_194 = tpu.memref_slice %arg2[%dma_wait3A_192, %dma_wait3A_193] : memref<10000x128xf32, #tpu.memory_space<hbm>> -> memref<128x128xf32, #tpu.memory_space<hbm>>
        %dma_wait3A_195 = arith.constant 0 : i32
        %dma_wait3A_196 = arith.constant 0 : i32
        %dma_wait3A_197 = tpu.memref_slice %arg10[%dma_wait3A_187, %dma_wait3A_195, %dma_wait3A_196] : memref<2x128x128xf32, #tpu.memory_space<vmem>> -> memref<1x128x128xf32, #tpu.memory_space<vmem>>
        %dma_wait3A_198 = tpu.memref_squeeze %dma_wait3A_197 : memref<1x128x128xf32, #tpu.memory_space<vmem>> -> memref<128x128xf32, #tpu.memory_space<vmem>>
        %dma_wait3A_199 = arith.constant 0 : i32
        %dma_wait3A_200 = arith.constant 0 : i32
        %dma_wait3A_201 = tpu.memref_slice %arg2[%dma_wait3A_199, %dma_wait3A_200] : memref<10000x128xf32, #tpu.memory_space<hbm>> -> memref<128x128xf32, #tpu.memory_space<hbm>>
        tpu.wait_dma2 semaphore(%arg17 : memref<!tpu.dma_semaphore, #tpu.memory_space<semaphore_mem>>) src(%dma_wait3A_201 : memref<128x128xf32, #tpu.memory_space<hbm>>) dst(%dma_wait3A_198 : memref<128x128xf32, #tpu.memory_space<vmem>>)
        %add3A_202 = arith.constant 1 : i32
        %add3A_203 = arith.addi %scan3A_152, %add3A_202 : i32
        %lt3A_204 = arith.constant 13 : i32
        %lt3A_205 = arith.cmpi slt, %add3A_203, %lt3A_204 : i32
        %convert_element_type3A_206 = arith.extui %lt3A_205 : i1 to i32
        %cond3A_207 = arith.constant 0 : i32
        %cond3A_208 = arith.cmpi ne, %convert_element_type3A_206, %cond3A_207 : i32
        scf.if %cond3A_208 {
          %add3A_209 = arith.constant 1 : i32
          %add3A_210 = arith.addi %scan3A_152, %add3A_209 : i32
          %dma_start3A_211 = arith.constant 1 : i32
          %dma_start3A_212 = arith.constant 1 : i32
          %dma_start3A_213 = arith.constant 0 : i32
          %dma_start3A_214 = arith.constant 0 : i32
          %dma_start3A_215 = tpu.memref_slice %arg10[%dma_start3A_212, %dma_start3A_213, %dma_start3A_214] : memref<2x128x128xf32, #tpu.memory_space<vmem>> -> memref<1x128x128xf32, #tpu.memory_space<vmem>>
          %dma_start3A_216 = tpu.memref_squeeze %dma_start3A_215 : memref<1x128x128xf32, #tpu.memory_space<vmem>> -> memref<128x128xf32, #tpu.memory_space<vmem>>
          %dma_start3A_217 = arith.constant 0 : i32
          %dma_start3A_218 = tpu.memref_slice %arg8[%dma_start3A_211, %add3A_210, %dma_start3A_217] : memref<2x13x128xi32, #tpu.memory_space<vmem>> -> memref<1x1x128xi32, #tpu.memory_space<vmem>>
          %dma_start3A_219 = tpu.memref_squeeze %dma_start3A_218 : memref<1x1x128xi32, #tpu.memory_space<vmem>> -> memref<128xi32, #tpu.memory_space<vmem>>
          %dma_start3A_220 = arith.constant 0 : i32
          %dma_start3A_221 = arith.constant 0 : i32
          %dma_start3A_222 = tpu.memref_slice %arg2[%dma_start3A_220, %dma_start3A_221] : memref<10000x128xf32, #tpu.memory_space<hbm>> -> memref<10000x128xf32, #tpu.memory_space<hbm>>
          tpu.enqueue_indirect_dma source(%dma_start3A_222 : memref<10000x128xf32, #tpu.memory_space<hbm>>) target(%dma_start3A_216 : memref<128x128xf32, #tpu.memory_space<vmem>>) offsets(%dma_start3A_219 : memref<128xi32, #tpu.memory_space<vmem>>) semaphore(%arg15 : memref<!tpu.dma_semaphore, #tpu.memory_space<semaphore_mem>>)
        } else {
        }
      } else {
      }
    }
    %scan3A_96 = arith.constant 13 : i32
    %run_scoped3A_97 = arith.constant 2 : i32
    "tpu.region"() ({
      %run_scoped3A_152 = tpu.sem_alloc : memref<!tpu.dma_semaphore, #tpu.memory_space<semaphore_mem>>
      %dma_start3A_153 = arith.constant 0 : i32
      %dma_start3A_154 = arith.constant 0 : i32
      %dma_start3A_155 = arith.constant 0 : i32
      %dma_start3A_156 = tpu.memref_slice %arg3[%add3A, %run_scoped3A_97, %dma_start3A_153, %dma_start3A_154, %dma_start3A_155] : memref<32x3x2x13x128xi32, #tpu.memory_space<hbm>> -> memref<1x1x2x13x128xi32, #tpu.memory_space<hbm>>
      %dma_start3A_157 = tpu.memref_squeeze %dma_start3A_156 : memref<1x1x2x13x128xi32, #tpu.memory_space<hbm>> -> memref<2x13x128xi32, #tpu.memory_space<hbm>>
      %dma_start3A_158 = arith.constant 0 : i32
      %dma_start3A_159 = arith.constant 0 : i32
      %dma_start3A_160 = arith.constant 0 : i32
      %dma_start3A_161 = tpu.memref_slice %arg3[%add3A, %run_scoped3A_97, %dma_start3A_158, %dma_start3A_159, %dma_start3A_160] : memref<32x3x2x13x128xi32, #tpu.memory_space<hbm>> -> memref<1x1x2x13x128xi32, #tpu.memory_space<hbm>>
      %dma_start3A_162 = tpu.memref_squeeze %dma_start3A_161 : memref<1x1x2x13x128xi32, #tpu.memory_space<hbm>> -> memref<2x13x128xi32, #tpu.memory_space<hbm>>
      tpu.enqueue_dma source(%dma_start3A_162 : memref<2x13x128xi32, #tpu.memory_space<hbm>>) target(%arg8 : memref<2x13x128xi32, #tpu.memory_space<vmem>>) target_semaphore(%run_scoped3A_152 : memref<!tpu.dma_semaphore, #tpu.memory_space<semaphore_mem>>)
      %dma_wait3A_163 = arith.constant 0 : i32
      %dma_wait3A_164 = arith.constant 0 : i32
      %dma_wait3A_165 = arith.constant 0 : i32
      %dma_wait3A_166 = tpu.memref_slice %arg3[%add3A, %run_scoped3A_97, %dma_wait3A_163, %dma_wait3A_164, %dma_wait3A_165] : memref<32x3x2x13x128xi32, #tpu.memory_space<hbm>> -> memref<1x1x2x13x128xi32, #tpu.memory_space<hbm>>
      %dma_wait3A_167 = tpu.memref_squeeze %dma_wait3A_166 : memref<1x1x2x13x128xi32, #tpu.memory_space<hbm>> -> memref<2x13x128xi32, #tpu.memory_space<hbm>>
      %dma_wait3A_168 = arith.constant 0 : i32
      %dma_wait3A_169 = arith.constant 0 : i32
      %dma_wait3A_170 = arith.constant 0 : i32
      %dma_wait3A_171 = tpu.memref_slice %arg3[%add3A, %run_scoped3A_97, %dma_wait3A_168, %dma_wait3A_169, %dma_wait3A_170] : memref<32x3x2x13x128xi32, #tpu.memory_space<hbm>> -> memref<1x1x2x13x128xi32, #tpu.memory_space<hbm>>
      %dma_wait3A_172 = tpu.memref_squeeze %dma_wait3A_171 : memref<1x1x2x13x128xi32, #tpu.memory_space<hbm>> -> memref<2x13x128xi32, #tpu.memory_space<hbm>>
      tpu.wait_dma2 semaphore(%run_scoped3A_152 : memref<!tpu.dma_semaphore, #tpu.memory_space<semaphore_mem>>) src(%dma_wait3A_172 : memref<2x13x128xi32, #tpu.memory_space<hbm>>) dst(%arg8 : memref<2x13x128xi32, #tpu.memory_space<vmem>>)
      tpu.yield
    }) : () -> ()
    %run_scoped3A_98 = arith.constant 2 : i32
    "tpu.region"() ({
      %run_scoped3A_152 = tpu.sem_alloc : memref<!tpu.dma_semaphore, #tpu.memory_space<semaphore_mem>>
      %dma_start3A_153 = arith.constant 0 : i32
      %dma_start3A_154 = arith.constant 0 : i32
      %dma_start3A_155 = arith.constant 0 : i32
      %dma_start3A_156 = tpu.memref_slice %arg4[%add3A, %run_scoped3A_98, %dma_start3A_153, %dma_start3A_154, %dma_start3A_155] : memref<32x3x2x13x128xi32, #tpu.memory_space<hbm>> -> memref<1x1x2x13x128xi32, #tpu.memory_space<hbm>>
      %dma_start3A_157 = tpu.memref_squeeze %dma_start3A_156 : memref<1x1x2x13x128xi32, #tpu.memory_space<hbm>> -> memref<2x13x128xi32, #tpu.memory_space<hbm>>
      %dma_start3A_158 = arith.constant 0 : i32
      %dma_start3A_159 = arith.constant 0 : i32
      %dma_start3A_160 = arith.constant 0 : i32
      %dma_start3A_161 = tpu.memref_slice %arg4[%add3A, %run_scoped3A_98, %dma_start3A_158, %dma_start3A_159, %dma_start3A_160] : memref<32x3x2x13x128xi32, #tpu.memory_space<hbm>> -> memref<1x1x2x13x128xi32, #tpu.memory_space<hbm>>
      %dma_start3A_162 = tpu.memref_squeeze %dma_start3A_161 : memref<1x1x2x13x128xi32, #tpu.memory_space<hbm>> -> memref<2x13x128xi32, #tpu.memory_space<hbm>>
      tpu.enqueue_dma source(%dma_start3A_162 : memref<2x13x128xi32, #tpu.memory_space<hbm>>) target(%arg9 : memref<2x13x128xi32, #tpu.memory_space<vmem>>) target_semaphore(%run_scoped3A_152 : memref<!tpu.dma_semaphore, #tpu.memory_space<semaphore_mem>>)
      %dma_wait3A_163 = arith.constant 0 : i32
      %dma_wait3A_164 = arith.constant 0 : i32
      %dma_wait3A_165 = arith.constant 0 : i32
      %dma_wait3A_166 = tpu.memref_slice %arg4[%add3A, %run_scoped3A_98, %dma_wait3A_163, %dma_wait3A_164, %dma_wait3A_165] : memref<32x3x2x13x128xi32, #tpu.memory_space<hbm>> -> memref<1x1x2x13x128xi32, #tpu.memory_space<hbm>>
      %dma_wait3A_167 = tpu.memref_squeeze %dma_wait3A_166 : memref<1x1x2x13x128xi32, #tpu.memory_space<hbm>> -> memref<2x13x128xi32, #tpu.memory_space<hbm>>
      %dma_wait3A_168 = arith.constant 0 : i32
      %dma_wait3A_169 = arith.constant 0 : i32
      %dma_wait3A_170 = arith.constant 0 : i32
      %dma_wait3A_171 = tpu.memref_slice %arg4[%add3A, %run_scoped3A_98, %dma_wait3A_168, %dma_wait3A_169, %dma_wait3A_170] : memref<32x3x2x13x128xi32, #tpu.memory_space<hbm>> -> memref<1x1x2x13x128xi32, #tpu.memory_space<hbm>>
      %dma_wait3A_172 = tpu.memref_squeeze %dma_wait3A_171 : memref<1x1x2x13x128xi32, #tpu.memory_space<hbm>> -> memref<2x13x128xi32, #tpu.memory_space<hbm>>
      tpu.wait_dma2 semaphore(%run_scoped3A_152 : memref<!tpu.dma_semaphore, #tpu.memory_space<semaphore_mem>>) src(%dma_wait3A_172 : memref<2x13x128xi32, #tpu.memory_space<hbm>>) dst(%arg9 : memref<2x13x128xi32, #tpu.memory_space<vmem>>)
      tpu.yield
    }) : () -> ()
    %dma_start3A_99 = arith.constant 0 : i32
    %dma_start3A_100 = arith.constant 0 : i32
    %dma_start3A_101 = arith.constant 0 : i32
    %dma_start3A_102 = arith.constant 0 : i32
    %dma_start3A_103 = arith.constant 0 : i32
    %dma_start3A_104 = tpu.memref_slice %arg10[%dma_start3A_101, %dma_start3A_102, %dma_start3A_103] : memref<2x128x128xf32, #tpu.memory_space<vmem>> -> memref<1x128x128xf32, #tpu.memory_space<vmem>>
    %dma_start3A_105 = tpu.memref_squeeze %dma_start3A_104 : memref<1x128x128xf32, #tpu.memory_space<vmem>> -> memref<128x128xf32, #tpu.memory_space<vmem>>
    %dma_start3A_106 = arith.constant 0 : i32
    %dma_start3A_107 = tpu.memref_slice %arg8[%dma_start3A_99, %dma_start3A_100, %dma_start3A_106] : memref<2x13x128xi32, #tpu.memory_space<vmem>> -> memref<1x1x128xi32, #tpu.memory_space<vmem>>
    %dma_start3A_108 = tpu.memref_squeeze %dma_start3A_107 : memref<1x1x128xi32, #tpu.memory_space<vmem>> -> memref<128xi32, #tpu.memory_space<vmem>>
    %dma_start3A_109 = arith.constant 0 : i32
    %dma_start3A_110 = arith.constant 0 : i32
    %dma_start3A_111 = tpu.memref_slice %arg2[%dma_start3A_109, %dma_start3A_110] : memref<10000x128xf32, #tpu.memory_space<hbm>> -> memref<10000x128xf32, #tpu.memory_space<hbm>>
    tpu.enqueue_indirect_dma source(%dma_start3A_111 : memref<10000x128xf32, #tpu.memory_space<hbm>>) target(%dma_start3A_105 : memref<128x128xf32, #tpu.memory_space<vmem>>) offsets(%dma_start3A_108 : memref<128xi32, #tpu.memory_space<vmem>>) semaphore(%arg14 : memref<!tpu.dma_semaphore, #tpu.memory_space<semaphore_mem>>)
    %dma_start3A_112 = arith.constant 1 : i32
    %dma_start3A_113 = arith.constant 0 : i32
    %dma_start3A_114 = arith.constant 1 : i32
    %dma_start3A_115 = arith.constant 0 : i32
    %dma_start3A_116 = arith.constant 0 : i32
    %dma_start3A_117 = tpu.memref_slice %arg10[%dma_start3A_114, %dma_start3A_115, %dma_start3A_116] : memref<2x128x128xf32, #tpu.memory_space<vmem>> -> memref<1x128x128xf32, #tpu.memory_space<vmem>>
    %dma_start3A_118 = tpu.memref_squeeze %dma_start3A_117 : memref<1x128x128xf32, #tpu.memory_space<vmem>> -> memref<128x128xf32, #tpu.memory_space<vmem>>
    %dma_start3A_119 = arith.constant 0 : i32
    %dma_start3A_120 = tpu.memref_slice %arg8[%dma_start3A_112, %dma_start3A_113, %dma_start3A_119] : memref<2x13x128xi32, #tpu.memory_space<vmem>> -> memref<1x1x128xi32, #tpu.memory_space<vmem>>
    %dma_start3A_121 = tpu.memref_squeeze %dma_start3A_120 : memref<1x1x128xi32, #tpu.memory_space<vmem>> -> memref<128xi32, #tpu.memory_space<vmem>>
    %dma_start3A_122 = arith.constant 0 : i32
    %dma_start3A_123 = arith.constant 0 : i32
    %dma_start3A_124 = tpu.memref_slice %arg2[%dma_start3A_122, %dma_start3A_123] : memref<10000x128xf32, #tpu.memory_space<hbm>> -> memref<10000x128xf32, #tpu.memory_space<hbm>>
    tpu.enqueue_indirect_dma source(%dma_start3A_124 : memref<10000x128xf32, #tpu.memory_space<hbm>>) target(%dma_start3A_118 : memref<128x128xf32, #tpu.memory_space<vmem>>) offsets(%dma_start3A_121 : memref<128xi32, #tpu.memory_space<vmem>>) semaphore(%arg15 : memref<!tpu.dma_semaphore, #tpu.memory_space<semaphore_mem>>)
    %scan3A_125 = arith.constant 0 : i32
    %scan3A_126 = arith.constant 0 : i32
    %scan3A_127 = arith.constant 13 : i32
    %scan3A_128 = arith.addi %scan3A_126, %scan3A_127 : i32
    %scan3A_129 = arith.constant 1 : i32
    scf.for %scan3A_152 = %scan3A_126 to %scan3A_128 step %scan3A_129  : i32 {
      %lt3A = arith.constant 13 : i32
      %lt3A_153 = arith.cmpi slt, %scan3A_152, %lt3A : i32
      %convert_element_type3A = arith.extui %lt3A_153 : i1 to i32
      %cond3A = arith.constant 0 : i32
      %cond3A_154 = arith.cmpi ne, %convert_element_type3A, %cond3A : i32
      scf.if %cond3A_154 {
        %dma_wait3A_160 = arith.constant 0 : i32
        %dma_wait3A_161 = arith.constant 0 : i32
        %dma_wait3A_162 = arith.constant 0 : i32
        %dma_wait3A_163 = tpu.memref_slice %arg10[%dma_wait3A_160, %dma_wait3A_161, %dma_wait3A_162] : memref<2x128x128xf32, #tpu.memory_space<vmem>> -> memref<1x128x128xf32, #tpu.memory_space<vmem>>
        %dma_wait3A_164 = tpu.memref_squeeze %dma_wait3A_163 : memref<1x128x128xf32, #tpu.memory_space<vmem>> -> memref<128x128xf32, #tpu.memory_space<vmem>>
        %dma_wait3A_165 = arith.constant 0 : i32
        %dma_wait3A_166 = arith.constant 0 : i32
        %dma_wait3A_167 = tpu.memref_slice %arg2[%dma_wait3A_165, %dma_wait3A_166] : memref<10000x128xf32, #tpu.memory_space<hbm>> -> memref<128x128xf32, #tpu.memory_space<hbm>>
        %dma_wait3A_168 = arith.constant 0 : i32
        %dma_wait3A_169 = arith.constant 0 : i32
        %dma_wait3A_170 = tpu.memref_slice %arg10[%dma_wait3A_160, %dma_wait3A_168, %dma_wait3A_169] : memref<2x128x128xf32, #tpu.memory_space<vmem>> -> memref<1x128x128xf32, #tpu.memory_space<vmem>>
        %dma_wait3A_171 = tpu.memref_squeeze %dma_wait3A_170 : memref<1x128x128xf32, #tpu.memory_space<vmem>> -> memref<128x128xf32, #tpu.memory_space<vmem>>
        %dma_wait3A_172 = arith.constant 0 : i32
        %dma_wait3A_173 = arith.constant 0 : i32
        %dma_wait3A_174 = tpu.memref_slice %arg2[%dma_wait3A_172, %dma_wait3A_173] : memref<10000x128xf32, #tpu.memory_space<hbm>> -> memref<128x128xf32, #tpu.memory_space<hbm>>
        tpu.wait_dma2 semaphore(%arg14 : memref<!tpu.dma_semaphore, #tpu.memory_space<semaphore_mem>>) src(%dma_wait3A_174 : memref<128x128xf32, #tpu.memory_space<hbm>>) dst(%dma_wait3A_171 : memref<128x128xf32, #tpu.memory_space<vmem>>)
        %dma_start3A_175 = arith.constant 0 : i32
        %dma_start3A_176 = arith.constant 0 : i32
        %dma_start3A_177 = arith.constant 0 : i32
        %dma_start3A_178 = arith.constant 0 : i32
        %dma_start3A_179 = tpu.memref_slice %arg10[%dma_start3A_175, %dma_start3A_177, %dma_start3A_178] : memref<2x128x128xf32, #tpu.memory_space<vmem>> -> memref<1x128x128xf32, #tpu.memory_space<vmem>>
        %dma_start3A_180 = tpu.memref_squeeze %dma_start3A_179 : memref<1x128x128xf32, #tpu.memory_space<vmem>> -> memref<128x128xf32, #tpu.memory_space<vmem>>
        %dma_start3A_181 = arith.constant 0 : i32
        %dma_start3A_182 = tpu.memref_slice %arg9[%dma_start3A_176, %scan3A_152, %dma_start3A_181] : memref<2x13x128xi32, #tpu.memory_space<vmem>> -> memref<1x1x128xi32, #tpu.memory_space<vmem>>
        %dma_start3A_183 = tpu.memref_squeeze %dma_start3A_182 : memref<1x1x128xi32, #tpu.memory_space<vmem>> -> memref<128xi32, #tpu.memory_space<vmem>>
        %dma_start3A_184 = arith.constant 0 : i32
        %dma_start3A_185 = arith.constant 0 : i32
        %dma_start3A_186 = tpu.memref_slice %arg13[%dma_start3A_184, %dma_start3A_185] : memref<10112x128xf32, #tpu.memory_space<vmem_shared>> -> memref<10112x128xf32, #tpu.memory_space<vmem_shared>>
        tpu.enqueue_indirect_dma source(%dma_start3A_180 : memref<128x128xf32, #tpu.memory_space<vmem>>) target(%dma_start3A_186 : memref<10112x128xf32, #tpu.memory_space<vmem_shared>>) offsets(%dma_start3A_183 : memref<128xi32, #tpu.memory_space<vmem>>) semaphore(%arg16 : memref<!tpu.dma_semaphore, #tpu.memory_space<semaphore_mem>>) {add = true}
        %dma_wait3A_187 = arith.constant 0 : i32
        %dma_wait3A_188 = arith.constant 0 : i32
        %dma_wait3A_189 = arith.constant 0 : i32
        %dma_wait3A_190 = tpu.memref_slice %arg10[%dma_wait3A_187, %dma_wait3A_188, %dma_wait3A_189] : memref<2x128x128xf32, #tpu.memory_space<vmem>> -> memref<1x128x128xf32, #tpu.memory_space<vmem>>
        %dma_wait3A_191 = tpu.memref_squeeze %dma_wait3A_190 : memref<1x128x128xf32, #tpu.memory_space<vmem>> -> memref<128x128xf32, #tpu.memory_space<vmem>>
        %dma_wait3A_192 = arith.constant 0 : i32
        %dma_wait3A_193 = arith.constant 0 : i32
        %dma_wait3A_194 = tpu.memref_slice %arg2[%dma_wait3A_192, %dma_wait3A_193] : memref<10000x128xf32, #tpu.memory_space<hbm>> -> memref<128x128xf32, #tpu.memory_space<hbm>>
        %dma_wait3A_195 = arith.constant 0 : i32
        %dma_wait3A_196 = arith.constant 0 : i32
        %dma_wait3A_197 = tpu.memref_slice %arg10[%dma_wait3A_187, %dma_wait3A_195, %dma_wait3A_196] : memref<2x128x128xf32, #tpu.memory_space<vmem>> -> memref<1x128x128xf32, #tpu.memory_space<vmem>>
        %dma_wait3A_198 = tpu.memref_squeeze %dma_wait3A_197 : memref<1x128x128xf32, #tpu.memory_space<vmem>> -> memref<128x128xf32, #tpu.memory_space<vmem>>
        %dma_wait3A_199 = arith.constant 0 : i32
        %dma_wait3A_200 = arith.constant 0 : i32
        %dma_wait3A_201 = tpu.memref_slice %arg2[%dma_wait3A_199, %dma_wait3A_200] : memref<10000x128xf32, #tpu.memory_space<hbm>> -> memref<128x128xf32, #tpu.memory_space<hbm>>
        tpu.wait_dma2 semaphore(%arg16 : memref<!tpu.dma_semaphore, #tpu.memory_space<semaphore_mem>>) src(%dma_wait3A_201 : memref<128x128xf32, #tpu.memory_space<hbm>>) dst(%dma_wait3A_198 : memref<128x128xf32, #tpu.memory_space<vmem>>)
        %add3A_202 = arith.constant 1 : i32
        %add3A_203 = arith.addi %scan3A_152, %add3A_202 : i32
        %lt3A_204 = arith.constant 13 : i32
        %lt3A_205 = arith.cmpi slt, %add3A_203, %lt3A_204 : i32
        %convert_element_type3A_206 = arith.extui %lt3A_205 : i1 to i32
        %cond3A_207 = arith.constant 0 : i32
        %cond3A_208 = arith.cmpi ne, %convert_element_type3A_206, %cond3A_207 : i32
        scf.if %cond3A_208 {
          %add3A_209 = arith.constant 1 : i32
          %add3A_210 = arith.addi %scan3A_152, %add3A_209 : i32
          %dma_start3A_211 = arith.constant 0 : i32
          %dma_start3A_212 = arith.constant 0 : i32
          %dma_start3A_213 = arith.constant 0 : i32
          %dma_start3A_214 = arith.constant 0 : i32
          %dma_start3A_215 = tpu.memref_slice %arg10[%dma_start3A_212, %dma_start3A_213, %dma_start3A_214] : memref<2x128x128xf32, #tpu.memory_space<vmem>> -> memref<1x128x128xf32, #tpu.memory_space<vmem>>
          %dma_start3A_216 = tpu.memref_squeeze %dma_start3A_215 : memref<1x128x128xf32, #tpu.memory_space<vmem>> -> memref<128x128xf32, #tpu.memory_space<vmem>>
          %dma_start3A_217 = arith.constant 0 : i32
          %dma_start3A_218 = tpu.memref_slice %arg8[%dma_start3A_211, %add3A_210, %dma_start3A_217] : memref<2x13x128xi32, #tpu.memory_space<vmem>> -> memref<1x1x128xi32, #tpu.memory_space<vmem>>
          %dma_start3A_219 = tpu.memref_squeeze %dma_start3A_218 : memref<1x1x128xi32, #tpu.memory_space<vmem>> -> memref<128xi32, #tpu.memory_space<vmem>>
          %dma_start3A_220 = arith.constant 0 : i32
          %dma_start3A_221 = arith.constant 0 : i32
          %dma_start3A_222 = tpu.memref_slice %arg2[%dma_start3A_220, %dma_start3A_221] : memref<10000x128xf32, #tpu.memory_space<hbm>> -> memref<10000x128xf32, #tpu.memory_space<hbm>>
          tpu.enqueue_indirect_dma source(%dma_start3A_222 : memref<10000x128xf32, #tpu.memory_space<hbm>>) target(%dma_start3A_216 : memref<128x128xf32, #tpu.memory_space<vmem>>) offsets(%dma_start3A_219 : memref<128xi32, #tpu.memory_space<vmem>>) semaphore(%arg14 : memref<!tpu.dma_semaphore, #tpu.memory_space<semaphore_mem>>)
        } else {
        }
      } else {
      }
      %lt3A_155 = arith.constant 13 : i32
      %lt3A_156 = arith.cmpi slt, %scan3A_152, %lt3A_155 : i32
      %convert_element_type3A_157 = arith.extui %lt3A_156 : i1 to i32
      %cond3A_158 = arith.constant 0 : i32
      %cond3A_159 = arith.cmpi ne, %convert_element_type3A_157, %cond3A_158 : i32
      scf.if %cond3A_159 {
        %dma_wait3A_160 = arith.constant 1 : i32
        %dma_wait3A_161 = arith.constant 0 : i32
        %dma_wait3A_162 = arith.constant 0 : i32
        %dma_wait3A_163 = tpu.memref_slice %arg10[%dma_wait3A_160, %dma_wait3A_161, %dma_wait3A_162] : memref<2x128x128xf32, #tpu.memory_space<vmem>> -> memref<1x128x128xf32, #tpu.memory_space<vmem>>
        %dma_wait3A_164 = tpu.memref_squeeze %dma_wait3A_163 : memref<1x128x128xf32, #tpu.memory_space<vmem>> -> memref<128x128xf32, #tpu.memory_space<vmem>>
        %dma_wait3A_165 = arith.constant 0 : i32
        %dma_wait3A_166 = arith.constant 0 : i32
        %dma_wait3A_167 = tpu.memref_slice %arg2[%dma_wait3A_165, %dma_wait3A_166] : memref<10000x128xf32, #tpu.memory_space<hbm>> -> memref<128x128xf32, #tpu.memory_space<hbm>>
        %dma_wait3A_168 = arith.constant 0 : i32
        %dma_wait3A_169 = arith.constant 0 : i32
        %dma_wait3A_170 = tpu.memref_slice %arg10[%dma_wait3A_160, %dma_wait3A_168, %dma_wait3A_169] : memref<2x128x128xf32, #tpu.memory_space<vmem>> -> memref<1x128x128xf32, #tpu.memory_space<vmem>>
        %dma_wait3A_171 = tpu.memref_squeeze %dma_wait3A_170 : memref<1x128x128xf32, #tpu.memory_space<vmem>> -> memref<128x128xf32, #tpu.memory_space<vmem>>
        %dma_wait3A_172 = arith.constant 0 : i32
        %dma_wait3A_173 = arith.constant 0 : i32
        %dma_wait3A_174 = tpu.memref_slice %arg2[%dma_wait3A_172, %dma_wait3A_173] : memref<10000x128xf32, #tpu.memory_space<hbm>> -> memref<128x128xf32, #tpu.memory_space<hbm>>
        tpu.wait_dma2 semaphore(%arg15 : memref<!tpu.dma_semaphore, #tpu.memory_space<semaphore_mem>>) src(%dma_wait3A_174 : memref<128x128xf32, #tpu.memory_space<hbm>>) dst(%dma_wait3A_171 : memref<128x128xf32, #tpu.memory_space<vmem>>)
        %dma_start3A_175 = arith.constant 1 : i32
        %dma_start3A_176 = arith.constant 1 : i32
        %dma_start3A_177 = arith.constant 0 : i32
        %dma_start3A_178 = arith.constant 0 : i32
        %dma_start3A_179 = tpu.memref_slice %arg10[%dma_start3A_175, %dma_start3A_177, %dma_start3A_178] : memref<2x128x128xf32, #tpu.memory_space<vmem>> -> memref<1x128x128xf32, #tpu.memory_space<vmem>>
        %dma_start3A_180 = tpu.memref_squeeze %dma_start3A_179 : memref<1x128x128xf32, #tpu.memory_space<vmem>> -> memref<128x128xf32, #tpu.memory_space<vmem>>
        %dma_start3A_181 = arith.constant 0 : i32
        %dma_start3A_182 = tpu.memref_slice %arg9[%dma_start3A_176, %scan3A_152, %dma_start3A_181] : memref<2x13x128xi32, #tpu.memory_space<vmem>> -> memref<1x1x128xi32, #tpu.memory_space<vmem>>
        %dma_start3A_183 = tpu.memref_squeeze %dma_start3A_182 : memref<1x1x128xi32, #tpu.memory_space<vmem>> -> memref<128xi32, #tpu.memory_space<vmem>>
        %dma_start3A_184 = arith.constant 0 : i32
        %dma_start3A_185 = arith.constant 0 : i32
        %dma_start3A_186 = tpu.memref_slice %arg13[%dma_start3A_184, %dma_start3A_185] : memref<10112x128xf32, #tpu.memory_space<vmem_shared>> -> memref<10112x128xf32, #tpu.memory_space<vmem_shared>>
        tpu.enqueue_indirect_dma source(%dma_start3A_180 : memref<128x128xf32, #tpu.memory_space<vmem>>) target(%dma_start3A_186 : memref<10112x128xf32, #tpu.memory_space<vmem_shared>>) offsets(%dma_start3A_183 : memref<128xi32, #tpu.memory_space<vmem>>) semaphore(%arg17 : memref<!tpu.dma_semaphore, #tpu.memory_space<semaphore_mem>>) {add = true}
        %dma_wait3A_187 = arith.constant 1 : i32
        %dma_wait3A_188 = arith.constant 0 : i32
        %dma_wait3A_189 = arith.constant 0 : i32
        %dma_wait3A_190 = tpu.memref_slice %arg10[%dma_wait3A_187, %dma_wait3A_188, %dma_wait3A_189] : memref<2x128x128xf32, #tpu.memory_space<vmem>> -> memref<1x128x128xf32, #tpu.memory_space<vmem>>
        %dma_wait3A_191 = tpu.memref_squeeze %dma_wait3A_190 : memref<1x128x128xf32, #tpu.memory_space<vmem>> -> memref<128x128xf32, #tpu.memory_space<vmem>>
        %dma_wait3A_192 = arith.constant 0 : i32
        %dma_wait3A_193 = arith.constant 0 : i32
        %dma_wait3A_194 = tpu.memref_slice %arg2[%dma_wait3A_192, %dma_wait3A_193] : memref<10000x128xf32, #tpu.memory_space<hbm>> -> memref<128x128xf32, #tpu.memory_space<hbm>>
        %dma_wait3A_195 = arith.constant 0 : i32
        %dma_wait3A_196 = arith.constant 0 : i32
        %dma_wait3A_197 = tpu.memref_slice %arg10[%dma_wait3A_187, %dma_wait3A_195, %dma_wait3A_196] : memref<2x128x128xf32, #tpu.memory_space<vmem>> -> memref<1x128x128xf32, #tpu.memory_space<vmem>>
        %dma_wait3A_198 = tpu.memref_squeeze %dma_wait3A_197 : memref<1x128x128xf32, #tpu.memory_space<vmem>> -> memref<128x128xf32, #tpu.memory_space<vmem>>
        %dma_wait3A_199 = arith.constant 0 : i32
        %dma_wait3A_200 = arith.constant 0 : i32
        %dma_wait3A_201 = tpu.memref_slice %arg2[%dma_wait3A_199, %dma_wait3A_200] : memref<10000x128xf32, #tpu.memory_space<hbm>> -> memref<128x128xf32, #tpu.memory_space<hbm>>
        tpu.wait_dma2 semaphore(%arg17 : memref<!tpu.dma_semaphore, #tpu.memory_space<semaphore_mem>>) src(%dma_wait3A_201 : memref<128x128xf32, #tpu.memory_space<hbm>>) dst(%dma_wait3A_198 : memref<128x128xf32, #tpu.memory_space<vmem>>)
        %add3A_202 = arith.constant 1 : i32
        %add3A_203 = arith.addi %scan3A_152, %add3A_202 : i32
        %lt3A_204 = arith.constant 13 : i32
        %lt3A_205 = arith.cmpi slt, %add3A_203, %lt3A_204 : i32
        %convert_element_type3A_206 = arith.extui %lt3A_205 : i1 to i32
        %cond3A_207 = arith.constant 0 : i32
        %cond3A_208 = arith.cmpi ne, %convert_element_type3A_206, %cond3A_207 : i32
        scf.if %cond3A_208 {
          %add3A_209 = arith.constant 1 : i32
          %add3A_210 = arith.addi %scan3A_152, %add3A_209 : i32
          %dma_start3A_211 = arith.constant 1 : i32
          %dma_start3A_212 = arith.constant 1 : i32
          %dma_start3A_213 = arith.constant 0 : i32
          %dma_start3A_214 = arith.constant 0 : i32
          %dma_start3A_215 = tpu.memref_slice %arg10[%dma_start3A_212, %dma_start3A_213, %dma_start3A_214] : memref<2x128x128xf32, #tpu.memory_space<vmem>> -> memref<1x128x128xf32, #tpu.memory_space<vmem>>
          %dma_start3A_216 = tpu.memref_squeeze %dma_start3A_215 : memref<1x128x128xf32, #tpu.memory_space<vmem>> -> memref<128x128xf32, #tpu.memory_space<vmem>>
          %dma_start3A_217 = arith.constant 0 : i32
          %dma_start3A_218 = tpu.memref_slice %arg8[%dma_start3A_211, %add3A_210, %dma_start3A_217] : memref<2x13x128xi32, #tpu.memory_space<vmem>> -> memref<1x1x128xi32, #tpu.memory_space<vmem>>
          %dma_start3A_219 = tpu.memref_squeeze %dma_start3A_218 : memref<1x1x128xi32, #tpu.memory_space<vmem>> -> memref<128xi32, #tpu.memory_space<vmem>>
          %dma_start3A_220 = arith.constant 0 : i32
          %dma_start3A_221 = arith.constant 0 : i32
          %dma_start3A_222 = tpu.memref_slice %arg2[%dma_start3A_220, %dma_start3A_221] : memref<10000x128xf32, #tpu.memory_space<hbm>> -> memref<10000x128xf32, #tpu.memory_space<hbm>>
          tpu.enqueue_indirect_dma source(%dma_start3A_222 : memref<10000x128xf32, #tpu.memory_space<hbm>>) target(%dma_start3A_216 : memref<128x128xf32, #tpu.memory_space<vmem>>) offsets(%dma_start3A_219 : memref<128xi32, #tpu.memory_space<vmem>>) semaphore(%arg15 : memref<!tpu.dma_semaphore, #tpu.memory_space<semaphore_mem>>)
        } else {
        }
      } else {
      }
    }
    %scan3A_130 = arith.constant 13 : i32
    "tpu.region"() ({
      %run_scoped3A_152 = tpu.sem_alloc : memref<!tpu.dma_semaphore, #tpu.memory_space<semaphore_mem>>
      %dma_start3A_153 = arith.constant 0 : i32
      %dma_start3A_154 = tpu.memref_slice %arg5[%add3A, %dma_start3A_153] : memref<32x16xi32, #tpu.memory_space<hbm>> -> memref<1x16xi32, #tpu.memory_space<hbm>>
      %dma_start3A_155 = tpu.memref_squeeze %dma_start3A_154 : memref<1x16xi32, #tpu.memory_space<hbm>> -> memref<16xi32, #tpu.memory_space<hbm>>
      %dma_start3A_156 = arith.constant 0 : i32
      %dma_start3A_157 = tpu.memref_slice %arg5[%add3A, %dma_start3A_156] : memref<32x16xi32, #tpu.memory_space<hbm>> -> memref<1x16xi32, #tpu.memory_space<hbm>>
      %dma_start3A_158 = tpu.memref_squeeze %dma_start3A_157 : memref<1x16xi32, #tpu.memory_space<hbm>> -> memref<16xi32, #tpu.memory_space<hbm>>
      tpu.enqueue_dma source(%dma_start3A_158 : memref<16xi32, #tpu.memory_space<hbm>>) target(%arg11 : memref<16xi32, #tpu.memory_space<vmem>>) target_semaphore(%run_scoped3A_152 : memref<!tpu.dma_semaphore, #tpu.memory_space<semaphore_mem>>)
      %dma_wait3A_159 = arith.constant 0 : i32
      %dma_wait3A_160 = tpu.memref_slice %arg5[%add3A, %dma_wait3A_159] : memref<32x16xi32, #tpu.memory_space<hbm>> -> memref<1x16xi32, #tpu.memory_space<hbm>>
      %dma_wait3A_161 = tpu.memref_squeeze %dma_wait3A_160 : memref<1x16xi32, #tpu.memory_space<hbm>> -> memref<16xi32, #tpu.memory_space<hbm>>
      %dma_wait3A_162 = arith.constant 0 : i32
      %dma_wait3A_163 = tpu.memref_slice %arg5[%add3A, %dma_wait3A_162] : memref<32x16xi32, #tpu.memory_space<hbm>> -> memref<1x16xi32, #tpu.memory_space<hbm>>
      %dma_wait3A_164 = tpu.memref_squeeze %dma_wait3A_163 : memref<1x16xi32, #tpu.memory_space<hbm>> -> memref<16xi32, #tpu.memory_space<hbm>>
      tpu.wait_dma2 semaphore(%run_scoped3A_152 : memref<!tpu.dma_semaphore, #tpu.memory_space<semaphore_mem>>) src(%dma_wait3A_164 : memref<16xi32, #tpu.memory_space<hbm>>) dst(%arg11 : memref<16xi32, #tpu.memory_space<vmem>>)
      tpu.yield
    }) : () -> ()
    "tpu.region"() ({
      %run_scoped3A_152 = tpu.sem_alloc : memref<!tpu.dma_semaphore, #tpu.memory_space<semaphore_mem>>
      %dma_start3A_153 = arith.constant 0 : i32
      %dma_start3A_154 = tpu.memref_slice %arg6[%add3A, %dma_start3A_153] : memref<32x16xi32, #tpu.memory_space<hbm>> -> memref<1x16xi32, #tpu.memory_space<hbm>>
      %dma_start3A_155 = tpu.memref_squeeze %dma_start3A_154 : memref<1x16xi32, #tpu.memory_space<hbm>> -> memref<16xi32, #tpu.memory_space<hbm>>
      %dma_start3A_156 = arith.constant 0 : i32
      %dma_start3A_157 = tpu.memref_slice %arg6[%add3A, %dma_start3A_156] : memref<32x16xi32, #tpu.memory_space<hbm>> -> memref<1x16xi32, #tpu.memory_space<hbm>>
      %dma_start3A_158 = tpu.memref_squeeze %dma_start3A_157 : memref<1x16xi32, #tpu.memory_space<hbm>> -> memref<16xi32, #tpu.memory_space<hbm>>
      tpu.enqueue_dma source(%dma_start3A_158 : memref<16xi32, #tpu.memory_space<hbm>>) target(%arg12 : memref<16xi32, #tpu.memory_space<vmem>>) target_semaphore(%run_scoped3A_152 : memref<!tpu.dma_semaphore, #tpu.memory_space<semaphore_mem>>)
      %dma_wait3A_159 = arith.constant 0 : i32
      %dma_wait3A_160 = tpu.memref_slice %arg6[%add3A, %dma_wait3A_159] : memref<32x16xi32, #tpu.memory_space<hbm>> -> memref<1x16xi32, #tpu.memory_space<hbm>>
      %dma_wait3A_161 = tpu.memref_squeeze %dma_wait3A_160 : memref<1x16xi32, #tpu.memory_space<hbm>> -> memref<16xi32, #tpu.memory_space<hbm>>
      %dma_wait3A_162 = arith.constant 0 : i32
      %dma_wait3A_163 = tpu.memref_slice %arg6[%add3A, %dma_wait3A_162] : memref<32x16xi32, #tpu.memory_space<hbm>> -> memref<1x16xi32, #tpu.memory_space<hbm>>
      %dma_wait3A_164 = tpu.memref_squeeze %dma_wait3A_163 : memref<1x16xi32, #tpu.memory_space<hbm>> -> memref<16xi32, #tpu.memory_space<hbm>>
      tpu.wait_dma2 semaphore(%run_scoped3A_152 : memref<!tpu.dma_semaphore, #tpu.memory_space<semaphore_mem>>) src(%dma_wait3A_164 : memref<16xi32, #tpu.memory_space<hbm>>) dst(%arg12 : memref<16xi32, #tpu.memory_space<vmem>>)
      tpu.yield
    }) : () -> ()
    %dma_start3A_131 = arith.constant 0 : i32
    %dma_start3A_132 = arith.constant 0 : i32
    %dma_start3A_133 = arith.constant 0 : i32
    %dma_start3A_134 = tpu.memref_slice %arg10[%dma_start3A_131, %dma_start3A_132, %dma_start3A_133] : memref<2x128x128xf32, #tpu.memory_space<vmem>> -> memref<1x16x128xf32, #tpu.memory_space<vmem>>
    %dma_start3A_135 = tpu.memref_squeeze %dma_start3A_134 : memref<1x16x128xf32, #tpu.memory_space<vmem>> -> memref<16x128xf32, #tpu.memory_space<vmem>>
    %dma_start3A_136 = arith.constant 0 : i32
    %dma_start3A_137 = arith.constant 0 : i32
    %dma_start3A_138 = tpu.memref_slice %arg2[%dma_start3A_136, %dma_start3A_137] : memref<10000x128xf32, #tpu.memory_space<hbm>> -> memref<10000x128xf32, #tpu.memory_space<hbm>>
    tpu.enqueue_indirect_dma source(%dma_start3A_138 : memref<10000x128xf32, #tpu.memory_space<hbm>>) target(%dma_start3A_135 : memref<16x128xf32, #tpu.memory_space<vmem>>) offsets(%arg11 : memref<16xi32, #tpu.memory_space<vmem>>) semaphore(%arg14 : memref<!tpu.dma_semaphore, #tpu.memory_space<semaphore_mem>>)
    %dma_wait3A = arith.constant 0 : i32
    %dma_wait3A_139 = arith.constant 0 : i32
    %dma_wait3A_140 = arith.constant 0 : i32
    %dma_wait3A_141 = tpu.memref_slice %arg10[%dma_wait3A, %dma_wait3A_139, %dma_wait3A_140] : memref<2x128x128xf32, #tpu.memory_space<vmem>> -> memref<1x16x128xf32, #tpu.memory_space<vmem>>
    %dma_wait3A_142 = tpu.memref_squeeze %dma_wait3A_141 : memref<1x16x128xf32, #tpu.memory_space<vmem>> -> memref<16x128xf32, #tpu.memory_space<vmem>>
    %dma_wait3A_143 = arith.constant 0 : i32
    %dma_wait3A_144 = arith.constant 0 : i32
    %dma_wait3A_145 = tpu.memref_slice %arg2[%dma_wait3A_143, %dma_wait3A_144] : memref<10000x128xf32, #tpu.memory_space<hbm>> -> memref<10000x128xf32, #tpu.memory_space<hbm>>
    tpu.wait_indirect_dma semaphore(%arg14 : memref<!tpu.dma_semaphore, #tpu.memory_space<semaphore_mem>>) src(%dma_wait3A_145 : memref<10000x128xf32, #tpu.memory_space<hbm>>) dst(%dma_wait3A_142 : memref<16x128xf32, #tpu.memory_space<vmem>>)
    %run_scoped3A_146 = arith.constant 0 : i32
    "tpu.region"() ({
      %run_scoped3A_152 = tpu.sem_alloc : memref<!tpu.dma_semaphore, #tpu.memory_space<semaphore_mem>>
      %dma_start3A_153 = arith.constant 0 : i32
      %dma_start3A_154 = arith.constant 0 : i32
      %dma_start3A_155 = tpu.memref_slice %arg10[%run_scoped3A_146, %dma_start3A_153, %dma_start3A_154] : memref<2x128x128xf32, #tpu.memory_space<vmem>> -> memref<1x16x128xf32, #tpu.memory_space<vmem>>
      %dma_start3A_156 = tpu.memref_squeeze %dma_start3A_155 : memref<1x16x128xf32, #tpu.memory_space<vmem>> -> memref<16x128xf32, #tpu.memory_space<vmem>>
      %dma_start3A_157 = arith.constant 0 : i32
      %dma_start3A_158 = arith.constant 0 : i32
      %dma_start3A_159 = tpu.memref_slice %arg13[%dma_start3A_157, %dma_start3A_158] : memref<10112x128xf32, #tpu.memory_space<vmem_shared>> -> memref<10112x128xf32, #tpu.memory_space<vmem_shared>>
      tpu.enqueue_indirect_dma source(%dma_start3A_156 : memref<16x128xf32, #tpu.memory_space<vmem>>) target(%dma_start3A_159 : memref<10112x128xf32, #tpu.memory_space<vmem_shared>>) offsets(%arg12 : memref<16xi32, #tpu.memory_space<vmem>>) semaphore(%run_scoped3A_152 : memref<!tpu.dma_semaphore, #tpu.memory_space<semaphore_mem>>) {add = true}
      %dma_wait3A_160 = arith.constant 0 : i32
      %dma_wait3A_161 = arith.constant 0 : i32
      %dma_wait3A_162 = tpu.memref_slice %arg10[%run_scoped3A_146, %dma_wait3A_160, %dma_wait3A_161] : memref<2x128x128xf32, #tpu.memory_space<vmem>> -> memref<1x16x128xf32, #tpu.memory_space<vmem>>
      %dma_wait3A_163 = tpu.memref_squeeze %dma_wait3A_162 : memref<1x16x128xf32, #tpu.memory_space<vmem>> -> memref<16x128xf32, #tpu.memory_space<vmem>>
      %dma_wait3A_164 = arith.constant 0 : i32
      %dma_wait3A_165 = arith.constant 0 : i32
      %dma_wait3A_166 = tpu.memref_slice %arg13[%dma_wait3A_164, %dma_wait3A_165] : memref<10112x128xf32, #tpu.memory_space<vmem_shared>> -> memref<10112x128xf32, #tpu.memory_space<vmem_shared>>
      tpu.wait_indirect_dma semaphore(%run_scoped3A_152 : memref<!tpu.dma_semaphore, #tpu.memory_space<semaphore_mem>>) src(%dma_wait3A_163 : memref<16x128xf32, #tpu.memory_space<vmem>>) dst(%dma_wait3A_166 : memref<10112x128xf32, #tpu.memory_space<vmem_shared>>)
      tpu.yield
    }) : () -> ()
    %barrier3A_147 = arith.constant 0 : index
    tpu.barrier barrier_id(%barrier3A_147)
    %mul3A_148 = arith.constant 632 : i32
    %mul3A_149 = arith.muli %arg1, %mul3A_148 : i32
    %mul3A_150 = arith.constant 632 : i32
    %mul3A_151 = arith.muli %arg1, %mul3A_150 : i32
    "tpu.region"() ({
      %run_scoped3A_152 = tpu.sem_alloc : memref<!tpu.dma_semaphore, #tpu.memory_space<semaphore_mem>>
      %dma_start3A_153 = arith.constant 0 : i32
      %dma_start3A_154 = tpu.memref_slice %arg7[%arg0, %mul3A_151, %dma_start3A_153] : memref<2x10112x128xf32, #tpu.memory_space<hbm>> -> memref<1x632x128xf32, #tpu.memory_space<hbm>>
      %dma_start3A_155 = tpu.memref_squeeze %dma_start3A_154 : memref<1x632x128xf32, #tpu.memory_space<hbm>> -> memref<632x128xf32, #tpu.memory_space<hbm>>
      %dma_start3A_156 = arith.constant 0 : i32
      %dma_start3A_157 = tpu.memref_slice %arg13[%mul3A_149, %dma_start3A_156] : memref<10112x128xf32, #tpu.memory_space<vmem_shared>> -> memref<632x128xf32, #tpu.memory_space<vmem_shared>>
      tpu.enqueue_dma source(%dma_start3A_157 : memref<632x128xf32, #tpu.memory_space<vmem_shared>>) target(%dma_start3A_155 : memref<632x128xf32, #tpu.memory_space<hbm>>) target_semaphore(%run_scoped3A_152 : memref<!tpu.dma_semaphore, #tpu.memory_space<semaphore_mem>>)
      %dma_wait3A_158 = arith.constant 0 : i32
      %dma_wait3A_159 = tpu.memref_slice %arg7[%arg0, %mul3A_151, %dma_wait3A_158] : memref<2x10112x128xf32, #tpu.memory_space<hbm>> -> memref<1x632x128xf32, #tpu.memory_space<hbm>>
      %dma_wait3A_160 = tpu.memref_squeeze %dma_wait3A_159 : memref<1x632x128xf32, #tpu.memory_space<hbm>> -> memref<632x128xf32, #tpu.memory_space<hbm>>
      %dma_wait3A_161 = arith.constant 0 : i32
      %dma_wait3A_162 = tpu.memref_slice %arg13[%mul3A_149, %dma_wait3A_161] : memref<10112x128xf32, #tpu.memory_space<vmem_shared>> -> memref<632x128xf32, #tpu.memory_space<vmem_shared>>
      tpu.wait_dma2 semaphore(%run_scoped3A_152 : memref<!tpu.dma_semaphore, #tpu.memory_space<semaphore_mem>>) src(%dma_wait3A_162 : memref<632x128xf32, #tpu.memory_space<vmem_shared>>) dst(%dma_wait3A_160 : memref<632x128xf32, #tpu.memory_space<hbm>>)
      tpu.yield
    }) : () -> ()
    return
  }
}

module attributes {stable_mosaic.version = 14 : i64} {
  func.func @_scale_body(%arg0: i32, %arg1: memref<1000x2xf32, #tpu.memory_space<vmem>>, %arg2: memref<1000x128xf32, #tpu.memory_space<vmem>>, %arg3: memref<1000x128xf32, #tpu.memory_space<vmem>>) attributes {dimension_semantics = [#tpu.dimension_semantics<arbitrary>], iteration_bounds = array<i64: 10>, scalar_prefetch = 0 : i64, scratch_operands = 0 : i64, tpu.core_type = #tpu.core_type<tc>, window_params = [{transform_indices = @transform_0, window_bounds = array<i64: 1000, 2>}, {transform_indices = @transform_1, window_bounds = array<i64: 1000, 128>}, {transform_indices = @transform_2, window_bounds = array<i64: 1000, 128>}]} {
    %get3A = arith.constant 0 : index
    %get3A_0 = arith.constant 0 : index
    %get3A_1 = vector.load %arg1[%get3A, %get3A_0] : memref<1000x2xf32, #tpu.memory_space<vmem>>, vector<1000x1xf32>
    %get3A_2 = arith.constant 0 : index
    %get3A_3 = arith.constant 1 : index
    %get3A_4 = vector.load %arg1[%get3A_2, %get3A_3] : memref<1000x2xf32, #tpu.memory_space<vmem>>, vector<1000x1xf32>
    %add3A = arith.addf %get3A_1, %get3A_4 : vector<1000x1xf32>
    %add3A_5 = arith.constant 1.000000e+00 : f32
    %add3A_6 = vector.broadcast %add3A_5 : f32 to vector<1000x1xf32>
    %add3A_7 = arith.addf %add3A, %add3A_6 : vector<1000x1xf32>
    %get3A_8 = arith.constant 0 : index
    %get3A_9 = arith.constant 0 : index
    %get3A_10 = vector.load %arg2[%get3A_8, %get3A_9] : memref<1000x128xf32, #tpu.memory_space<vmem>>, vector<1000x128xf32>
    %rsqrt3A = math.rsqrt %add3A_7 : vector<1000x1xf32>
    %mul3A = vector.broadcast %rsqrt3A : vector<1000x1xf32> to vector<1000x128xf32>
    %mul3A_11 = arith.mulf %get3A_10, %mul3A : vector<1000x128xf32>
    %swap3A = arith.constant 0 : index
    %swap3A_12 = arith.constant 0 : index
    %swap3A_13 = vector.load %arg3[%swap3A, %swap3A_12] : memref<1000x128xf32, #tpu.memory_space<vmem>>, vector<1000x128xf32>
    tpu.vector_store %arg3[%swap3A, %swap3A_12], %mul3A_11 {strides = array<i32>} : memref<1000x128xf32, #tpu.memory_space<vmem>>, vector<1000x128xf32>,
    return
  }
  func.func @transform_0(%arg0: i32) -> (i32, i32) {
    %c0_i32 = arith.constant 0 : i32
    %c0_i32_0 = arith.constant 0 : i32
    return %arg0, %c0_i32 : i32, i32
  }
  func.func @transform_1(%arg0: i32) -> (i32, i32) {
    %c0_i32 = arith.constant 0 : i32
    %c0_i32_0 = arith.constant 0 : i32
    return %arg0, %c0_i32 : i32, i32
  }
  func.func @transform_2(%arg0: i32) -> (i32, i32) {
    %c0_i32 = arith.constant 0 : i32
    %c0_i32_0 = arith.constant 0 : i32
    return %arg0, %c0_i32 : i32, i32
  }
}

module attributes {stable_mosaic.version = 14 : i64} {
  func.func @_dense_body(%arg0: i32, %arg1: memref<2x1000x128xf32, #tpu.memory_space<vmem>>, %arg2: memref<1000x128xf32, #tpu.memory_space<vmem>>, %arg3: memref<1000x128xf32, #tpu.memory_space<vmem>>, %arg4: memref<1000x2xf32, #tpu.memory_space<vmem>>, %arg5: memref<128x384xf32, #tpu.memory_space<vmem>>, %arg6: memref<384x32xf32, #tpu.memory_space<vmem>>, %arg7: memref<1x32xf32, #tpu.memory_space<vmem>>, %arg8: memref<32x128xf32, #tpu.memory_space<vmem>>, %arg9: memref<1x128xf32, #tpu.memory_space<vmem>>, %arg10: memref<1000x128xf32, #tpu.memory_space<vmem>>) attributes {dimension_semantics = [#tpu.dimension_semantics<arbitrary>], iteration_bounds = array<i64: 10>, scalar_prefetch = 0 : i64, scratch_operands = 0 : i64, tpu.core_type = #tpu.core_type<tc>, window_params = [{transform_indices = @transform_0, window_bounds = array<i64: 2, 1000, 128>}, {transform_indices = @transform_1, window_bounds = array<i64: 1000, 128>}, {transform_indices = @transform_2, window_bounds = array<i64: 1000, 128>}, {transform_indices = @transform_3, window_bounds = array<i64: 1000, 2>}, {pipeline_mode = #tpu.pipeline_mode<synchronous>, transform_indices = @transform_4, window_bounds = array<i64: 128, 384>}, {pipeline_mode = #tpu.pipeline_mode<synchronous>, transform_indices = @transform_5, window_bounds = array<i64: 384, 32>}, {pipeline_mode = #tpu.pipeline_mode<synchronous>, transform_indices = @transform_6, window_bounds = array<i64: 1, 32>}, {pipeline_mode = #tpu.pipeline_mode<synchronous>, transform_indices = @transform_7, window_bounds = array<i64: 32, 128>}, {pipeline_mode = #tpu.pipeline_mode<synchronous>, transform_indices = @transform_8, window_bounds = array<i64: 1, 128>}, {transform_indices = @transform_9, window_bounds = array<i64: 1000, 128>}]} {
    %get3A = arith.constant 0 : index
    %get3A_0 = arith.constant 0 : index
    %get3A_1 = vector.load %arg4[%get3A, %get3A_0] : memref<1000x2xf32, #tpu.memory_space<vmem>>, vector<1000x1xf32>
    %get3A_2 = arith.constant 0 : index
    %get3A_3 = arith.constant 1 : index
    %get3A_4 = vector.load %arg4[%get3A_2, %get3A_3] : memref<1000x2xf32, #tpu.memory_space<vmem>>, vector<1000x1xf32>
    %add3A = arith.addf %get3A_1, %get3A_4 : vector<1000x1xf32>
    %add3A_5 = arith.constant 1.000000e+00 : f32
    %add3A_6 = vector.broadcast %add3A_5 : f32 to vector<1000x1xf32>
    %add3A_7 = arith.addf %add3A, %add3A_6 : vector<1000x1xf32>
    %rsqrt3A = math.rsqrt %add3A_7 : vector<1000x1xf32>
    %get3A_8 = arith.constant 0 : index
    %get3A_9 = arith.constant 0 : index
    %get3A_10 = arith.constant 0 : index
    %get3A_11 = vector.load %arg1[%get3A_8, %get3A_9, %get3A_10] : memref<2x1000x128xf32, #tpu.memory_space<vmem>>, vector<1x1000x128xf32>
    %get3A_12 = vector.shape_cast %get3A_11 : vector<1x1000x128xf32> to vector<1000x128xf32>
    %get3A_13 = arith.constant 1 : index
    %get3A_14 = arith.constant 0 : index
    %get3A_15 = arith.constant 0 : index
    %get3A_16 = vector.load %arg1[%get3A_13, %get3A_14, %get3A_15] : memref<2x1000x128xf32, #tpu.memory_space<vmem>>, vector<1x1000x128xf32>
    %get3A_17 = vector.shape_cast %get3A_16 : vector<1x1000x128xf32> to vector<1000x128xf32>
    %add3A_18 = arith.addf %get3A_12, %get3A_17 : vector<1000x128xf32>
    %get3A_19 = arith.constant 0 : index
    %get3A_20 = arith.constant 0 : index
    %get3A_21 = vector.load %arg2[%get3A_19, %get3A_20] : memref<1000x128xf32, #tpu.memory_space<vmem>>, vector<1000x128xf32>
    %add3A_22 = arith.addf %add3A_18, %get3A_21 : vector<1000x128xf32>
    %mul3A = vector.broadcast %rsqrt3A : vector<1000x1xf32> to vector<1000x128xf32>
    %mul3A_23 = arith.mulf %add3A_22, %mul3A : vector<1000x128xf32>
    %get3A_24 = arith.constant 0 : index
    %get3A_25 = arith.constant 0 : index
    %get3A_26 = vector.load %arg5[%get3A_24, %get3A_25] : memref<128x384xf32, #tpu.memory_space<vmem>>, vector<128x384xf32>
    %get3A_27 = arith.constant 0 : index
    %get3A_28 = arith.constant 0 : index
    %get3A_29 = vector.load %arg6[%get3A_27, %get3A_28] : memref<384x32xf32, #tpu.memory_space<vmem>>, vector<384x32xf32>
    %dot_general3A = arith.constant dense<0.000000e+00> : vector<128x32xf32>
    %dot_general3A_30 = tpu.matmul %get3A_26, %get3A_29, %dot_general3A {dimension_numbers = #tpu.dot_dimension_numbers<[1], [0], [0], [1], [0, 0, 1, 1], [], []>, transpose_lhs_hint = false} : vector<128x384xf32>, vector<384x32xf32>, vector<128x32xf32> -> vector<128x32xf32>
    %dot_general3A_31 = arith.constant dense<0.000000e+00> : vector<1000x32xf32>
    %dot_general3A_32 = tpu.matmul %mul3A_23, %dot_general3A_30, %dot_general3A_31 {dimension_numbers = #tpu.dot_dimension_numbers<[1], [0], [0], [1], [0, 0, 1, 1], [], []>, transpose_lhs_hint = false} : vector<1000x128xf32>, vector<128x32xf32>, vector<1000x32xf32> -> vector<1000x32xf32>
    %get3A_33 = arith.constant 0 : index
    %get3A_34 = arith.constant 0 : index
    %get3A_35 = vector.load %arg7[%get3A_33, %get3A_34] : memref<1x32xf32, #tpu.memory_space<vmem>>, vector<1x32xf32>
    %add3A_36 = vector.broadcast %get3A_35 : vector<1x32xf32> to vector<1000x32xf32>
    %add3A_37 = arith.addf %dot_general3A_32, %add3A_36 : vector<1000x32xf32>
    %max3A = arith.constant 0.000000e+00 : f32
    %max3A_38 = vector.broadcast %max3A : f32 to vector<1000x32xf32>
    %max3A_39 = arith.maximumf %add3A_37, %max3A_38 : vector<1000x32xf32>
    %get3A_40 = arith.constant 0 : index
    %get3A_41 = arith.constant 0 : index
    %get3A_42 = vector.load %arg8[%get3A_40, %get3A_41] : memref<32x128xf32, #tpu.memory_space<vmem>>, vector<32x128xf32>
    %dot_general3A_43 = arith.constant dense<0.000000e+00> : vector<1000x128xf32>
    %dot_general3A_44 = tpu.matmul %max3A_39, %get3A_42, %dot_general3A_43 {dimension_numbers = #tpu.dot_dimension_numbers<[1], [0], [0], [1], [0, 0, 1, 1], [], []>, transpose_lhs_hint = false} : vector<1000x32xf32>, vector<32x128xf32>, vector<1000x128xf32> -> vector<1000x128xf32>
    %get3A_45 = arith.constant 0 : index
    %get3A_46 = arith.constant 0 : index
    %get3A_47 = vector.load %arg9[%get3A_45, %get3A_46] : memref<1x128xf32, #tpu.memory_space<vmem>>, vector<1x128xf32>
    %add3A_48 = vector.broadcast %get3A_47 : vector<1x128xf32> to vector<1000x128xf32>
    %add3A_49 = arith.addf %dot_general3A_44, %add3A_48 : vector<1000x128xf32>
    %get3A_50 = arith.constant 0 : index
    %get3A_51 = arith.constant 0 : index
    %get3A_52 = vector.load %arg3[%get3A_50, %get3A_51] : memref<1000x128xf32, #tpu.memory_space<vmem>>, vector<1000x128xf32>
    %add3A_53 = arith.addf %get3A_52, %add3A_49 : vector<1000x128xf32>
    %swap3A = arith.constant 0 : index
    %swap3A_54 = arith.constant 0 : index
    %swap3A_55 = vector.load %arg10[%swap3A, %swap3A_54] : memref<1000x128xf32, #tpu.memory_space<vmem>>, vector<1000x128xf32>
    tpu.vector_store %arg10[%swap3A, %swap3A_54], %add3A_53 {strides = array<i32>} : memref<1000x128xf32, #tpu.memory_space<vmem>>, vector<1000x128xf32>,
    return
  }
  func.func @transform_0(%arg0: i32) -> (i32, i32, i32) {
    %c0_i32 = arith.constant 0 : i32
    %c0_i32_0 = arith.constant 0 : i32
    %c0_i32_1 = arith.constant 0 : i32
    return %c0_i32, %arg0, %c0_i32_0 : i32, i32, i32
  }
  func.func @transform_1(%arg0: i32) -> (i32, i32) {
    %c0_i32 = arith.constant 0 : i32
    %c0_i32_0 = arith.constant 0 : i32
    return %arg0, %c0_i32 : i32, i32
  }
  func.func @transform_2(%arg0: i32) -> (i32, i32) {
    %c0_i32 = arith.constant 0 : i32
    %c0_i32_0 = arith.constant 0 : i32
    return %arg0, %c0_i32 : i32, i32
  }
  func.func @transform_3(%arg0: i32) -> (i32, i32) {
    %c0_i32 = arith.constant 0 : i32
    %c0_i32_0 = arith.constant 0 : i32
    return %arg0, %c0_i32 : i32, i32
  }
  func.func @transform_4(%arg0: i32) -> (i32, i32) {
    %c0_i32 = arith.constant 0 : i32
    %c0_i32_0 = arith.constant 0 : i32
    %c0_i32_1 = arith.constant 0 : i32
    return %c0_i32, %c0_i32_0 : i32, i32
  }
  func.func @transform_5(%arg0: i32) -> (i32, i32) {
    %c0_i32 = arith.constant 0 : i32
    %c0_i32_0 = arith.constant 0 : i32
    %c0_i32_1 = arith.constant 0 : i32
    return %c0_i32, %c0_i32_0 : i32, i32
  }
  func.func @transform_6(%arg0: i32) -> (i32, i32) {
    %c0_i32 = arith.constant 0 : i32
    %c0_i32_0 = arith.constant 0 : i32
    %c0_i32_1 = arith.constant 0 : i32
    return %c0_i32, %c0_i32_0 : i32, i32
  }
  func.func @transform_7(%arg0: i32) -> (i32, i32) {
    %c0_i32 = arith.constant 0 : i32
    %c0_i32_0 = arith.constant 0 : i32
    %c0_i32_1 = arith.constant 0 : i32
    return %c0_i32, %c0_i32_0 : i32, i32
  }
  func.func @transform_8(%arg0: i32) -> (i32, i32) {
    %c0_i32 = arith.constant 0 : i32
    %c0_i32_0 = arith.constant 0 : i32
    %c0_i32_1 = arith.constant 0 : i32
    return %c0_i32, %c0_i32_0 : i32, i32
  }
  func.func @transform_9(%arg0: i32) -> (i32, i32) {
    %c0_i32 = arith.constant 0 : i32
    %c0_i32_0 = arith.constant 0 : i32
    return %arg0, %c0_i32 : i32, i32
  }
}

</mosaic_0001>

<sc_bundles>
// kernel: kernel.6.cloned.1.call-start
scs
__scs_entry_jumppad:
0x0: {  	(pc) =	sbr.rel $0x88, $3  }
0x1: {  	(tag) =	ssettag $0x0;
	lr =	simm.s32 $0x1  }
0x2: {  	[smem:$0x3F9A] =	sst lr;
	_ =	strace $0xD0000000  }
0x3: {  	_ = 	snop  }
0x4: {  	_ = 	snop  }
0x5: {  	_ = 	snop  }
0x6: {  	_ = 	snop  }
0x7: {  	_ = 	snop  }
__scs_overlays_trampoline_lowered:
0x8: {  	[smem:$0x3FA9] =	sst s0  }
0x9: {  	[smem:$0x3FAA] =	sst s1  }
0xa: {  	[smem:$0x3FAB] =	sst s2  }
0xb: {  	[smem:$0x3FAC] =	sst s3  }
0xc: {  	[smem:$0x3FAD] =	sst s4  }
0xd: {  	[smem:$0x3FAE] =	sst s5  }
0xe: {  	[smem:$0x3FAF] =	sst s6  }
0xf: {  	[smem:$0x3FB0] =	sst s7  }
0x10: {  	[smem:$0x3FB1] =	sst s8  }
0x11: {  	[smem:$0x3FB2] =	sst s9;
	s0 =	simm.s32 @!p0 $0x0  }
0x12: {  	s1 =	sld [smem:$0x3F98];
	s0 =	simm.s32 @p0 $0x1  }
0x13: {  	[smem:$0x3FB3] =	sst s0;
	s0 =	simm.s32 @!p1 $0x0  }
0x14: {  	s2 =	sld [smem:$0x3F97];
	s0 =	simm.s32 @p1 $0x1  }
0x15: {  	[smem:$0x3FB4] =	sst s0;
	s0 =	simm.s32 @!p2 $0x0  }
0x16: {  	s3 =	sld [smem:$0x3FDB];
	s0 =	simm.s32 @p2 $0x1  }
0x17: {  	s4 =	simm.s32 $0x1BF5;
	[smem:$0x3FB6] =	sst s0  }
0x18: {  	s0 =	sld [smem:$0x3F99];
	_ =	swait.ge [sflag:s4], $0x0  }
0x19: {  	s7 =	sld [smem:$0x3F9A]  }
0x1a: {  	s8 =	sadd.s32 $0xFFFFE003, lr  }
0x1b: {  	s9 =	sadd.s32 $0xFFFFFEF7, lr;
	s5 =	simm.s32 $0xFFFFFFFF;
	p2 =	slt.u32 s8, $0xFFFFF086  }
0x1c: {  	p1 =	slt.u32 s9, $0xF7A;
	s5 =	simm.s32 @!p2 $0x0  }
0x1d: {  	s5 =	simm.s32 @p1 $0x1;
	p0 =	seq.s32 s7, s2  }
0x1e: {  	s7 =	smul.u32 @!p0 $0xF7A, s2;
	p2 =	seq.s32 @!p0 s5, $0x0  }
0x1f: {  	s9 =	smul.u32 $0xF7A, s1;
	s8 =	simm.s32 @!p0 $0x1BF5;
	p2 =	por !p2, p0  }
0x20: {  	[sflag:s8] =	ssyncset.s32 @!p0 $0xFFFFF086;
	s6 =	sadd.s32 @!p0 s3, s7;
	s7 =	simm.s32 @!p0 $0x108  }
0x21: {  	s3 =	sadd.s32 s3, s9;
	s6 =	sadd.s32 @!p0 $0x88, s6;
	s7 =	simm.s32 @p2 $0x1082  }
0x22: {  	[simem:s7], [sflag:s8] =	dma.local @!p0 [hbm:s6], $0xF7A  }
0x23: {  	s9 =	sor.u32 $0xD0000000, s2;
	s6 =	simm.s32 $0x108;
	_ =	swait.ge @!p0 [sflag:s8], $0x0  }
0x24: {  	s3 =	sadd.s32 $0x88, s3;
	s6 =	simm.s32 @!p1 $0x1082;
	[sflag:s4] =	ssyncset.s32 $0xFFFFF086  }
0x25: {  	[simem:s6], [sflag:s4] =	dma.local [hbm:s3], $0xF7A  }
0x26: {  	[smem:$0x3F9A] =	sst s1;
	(tag) =	ssettag s2;
	_ =	strace s9  }
0x27: {  	s1 =	sld [smem:$0x3FAA]  }
0x28: {  	s2 =	sld [smem:$0x3FAB]  }
0x29: {  	s4 =	sld [smem:$0x3FAD]  }
0x2a: {  	p0 =	seq.s32 s5, $0x0;
	s5 =	sld [smem:$0x3FAE]  }
0x2b: {  	s6 =	sld [smem:$0x3FAF]  }
0x2c: {  	s7 =	sld [smem:$0x3FB0]  }
0x2d: {  	s3 =	simm.s32 $0x108;
	s8 =	sld [smem:$0x3FB1]  }
0x2e: {  	s3 =	simm.s32 @!p0 $0x1082;
	s9 =	sld [smem:$0x3FB2]  }
0x2f: {  	lr =	sadd.s32 s0, s3;
	s0 =	sld [smem:$0x3FA9]  }
0x30: {  	s3 =	sld [smem:$0x3FAC]  }
0x31: {  	[smem:$0x3FB5] =	sst s10  }
0x32: {  	s10 =	sld [smem:$0x3FB3];
	_ =	sdelay $0x3  }
0x33: {  	p0 =	seq.s32 s10, $0x1;
	s10 =	sld [smem:$0x3FB5];
	_ =	sdelay $0x3  }
0x34: {  	[smem:$0x3FB5] =	sst s10  }
0x35: {  	s10 =	sld [smem:$0x3FB4];
	_ =	sdelay $0x3  }
0x36: {  	p1 =	seq.s32 s10, $0x1;
	s10 =	sld [smem:$0x3FB5];
	_ =	sdelay $0x3  }
0x37: {  	[smem:$0x3FB5] =	sst s10  }
0x38: {  	s10 =	sld [smem:$0x3FB6]  }
0x39: {  	_ = 	snop;
	(pc) =	sbr.ind lr, $3  }
0x3a: {  	_ = 	snop  }
0x3b: {  	_ = 	snop  }
0x3c: {  	p2 =	seq.s32 s10, $0x1;
	s10 =	sld [smem:$0x3FB5]  }
0x3d: {  	_ =	shalt  }
0x3e: {  	_ =	shalt  }
0x3f: {  	_ =	shalt  }
0x40: {  	_ =	shalt  }
0x41: {  	_ =	shalt  }
0x42: {  	_ =	shalt  }
0x43: {  	_ =	shalt  }
0x44: {  	_ =	shalt  }
0x45: {  	_ =	shalt  }
0x46: {  	_ =	shalt  }
0x47: {  	_ =	shalt  }
0x48: {  	_ =	shalt  }
0x49: {  	_ =	shalt  }
0x4a: {  	_ =	shalt  }
0x4b: {  	_ =	shalt  }
0x4c: {  	_ =	shalt  }
0x4d: {  	_ =	shalt  }
0x4e: {  	_ =	shalt  }
0x4f: {  	_ =	shalt  }
0x50: {  	_ =	shalt  }
0x51: {  	_ =	shalt  }
0x52: {  	_ =	shalt  }
0x53: {  	_ =	shalt  }
0x54: {  	_ =	shalt  }
0x55: {  	_ =	shalt  }
0x56: {  	_ =	shalt  }
0x57: {  	_ =	shalt  }
0x58: {  	_ =	shalt  }
0x59: {  	_ =	shalt  }
0x5a: {  	_ =	shalt  }
0x5b: {  	_ =	shalt  }
0x5c: {  	_ =	shalt  }
0x5d: {  	_ =	shalt  }
0x5e: {  	_ =	shalt  }
0x5f: {  	_ =	shalt  }
0x60: {  	_ =	shalt  }
0x61: {  	_ =	shalt  }
0x62: {  	_ =	shalt  }
0x63: {  	_ =	shalt  }
0x64: {  	_ =	shalt  }
0x65: {  	_ =	shalt  }
0x66: {  	_ =	shalt  }
0x67: {  	_ =	shalt  }
0x68: {  	_ =	shalt  }
0x69: {  	_ =	shalt  }
0x6a: {  	_ =	shalt  }
0x6b: {  	_ =	shalt  }
0x6c: {  	_ =	shalt  }
0x6d: {  	_ =	shalt  }
0x6e: {  	_ =	shalt  }
0x6f: {  	_ =	shalt  }
0x70: {  	_ =	shalt  }
0x71: {  	_ =	shalt  }
0x72: {  	_ =	shalt  }
0x73: {  	_ =	shalt  }
0x74: {  	_ =	shalt  }
0x75: {  	_ =	shalt  }
0x76: {  	_ =	shalt  }
0x77: {  	_ =	shalt  }
0x78: {  	_ =	shalt  }
0x79: {  	_ =	shalt  }
0x7a: {  	_ =	shalt  }
0x7b: {  	_ =	shalt  }
0x7c: {  	_ =	shalt  }
0x7d: {  	_ =	shalt  }
0x7e: {  	_ =	shalt  }
0x7f: {  	_ =	shalt  }
0x80: {  	_ =	shalt  }
0x81: {  	_ =	shalt  }
0x82: {  	_ =	shalt  }
0x83: {  	_ =	shalt  }
0x84: {  	_ =	shalt  }
0x85: {  	_ =	shalt  }
0x86: {  	_ =	shalt  }
0x87: {  	_ =	shalt  }
.Lfunc_end0:
.L_simem_size_0:
called_computation_lowered:
.L_overlay_start_0:
0x88: {  	s2 =	sld [smem:$0x3FD9]  }
0x89: {  	s3 =	sld [smem:$0x3FFE];
	_ =	sdelay $0x1  }
0x8a: {  	s1 =	srdreg.scid  }
0x8b: {  	s0 =	sand.u32 $0x1, s1  }
0x8c: {  	s17 =	sshll.u32 s0, $0xA;
	s2 =	sadd.s32 s3, s2  }
0x8d: {  	s2 =	sadd.s32 s2, s17  }
0x8e: {  	[smem:$0x3FC1] =	sst s2  }
0x8f: {  	_ = 	snop  }
0x90: {  	s2 =	sld [smem:$0x3FD0];
	(tm) =	ssettm $0x1  }
0x91: {  	s18 =	sld [smem:$0x3FFB];
	_ =	sdelay $0x3  }
0x92: {  	_ =	strace s18  }
0x93: {  	s3 =	sld [smem:$0x3FFC];
	_ =	sdelay $0x3  }
0x94: {  	_ =	strace s3  }
0x95: {  	s3 =	sld [smem:$0x3FFD];
	_ =	sdelay $0x3  }
0x96: {  	_ =	strace s3  }
0x97: {  	_ =	strace $0x8FFFFFFF  }
0x98: {  	s19 =	sld [smem:$0x3FDB];
	_ =	sdelay $0x1  }
0x99: {  	s4 =	simm.s32 $_scs_section_size  }
0x9a: {  	s5 =	simm.s32 $_size__tile_overlayer_lowered;
	s6 =	simm.s32 $_tile_overlayer_lowered  }
0x9b: {  	s22 =	simm.s32 $0x1BFF;
	s21 =	sshll.u32 s6, $0x1;
	s3 =	sadd.s32 s4, s19  }
0x9c: {  	s7 =	simm.s32 $0x0;
	s20 =	sshll.u32 s5, $0x1;
	s5 =	sadd.s32 s21, s3  }
0x9d: {  	[timem:s7], [sflag:s22] =	dma.local [hbm:s5], s20  }
0x9e: {  	_ =	swait.ge [sflag:s22], s20  }
0x9f: {  	s4 =	ssub.s32 $0x0, s20;
	[sflag:s22] =	ssyncset.done $0x0  }
0xa0: {  	[sflag:s22] =	ssyncadd.s32 s4;
	_ =	sdelay $0x1  }
0xa1: {  	s23 =	simm.s32 $0x1B8B  }
0xa2: {  	_ =	swait.ge [sflag:s23], $0x1  }
0xa3: {  	[sflag:s23] =	ssyncset.done $0x0  }
0xa4: {  	s25 =	simm.s32 $0x1B8E;
	s24 =	sld [smem:$0x3FFE];
	[sflag:s23] =	ssyncadd.s32 $0xFFFFFFFF  }
0xa5: {  	s26 =	simm.s32 $execute0_lowered;
	[smem:$0x3FD2] =	sst s25  }
0xa6: {  	s5 =	sshll.u32 s26, $0x1;
	_ =	strace $0x80000046;
	[dreg:$0x1] =	wrdreg $0xFFFFFFFF  }
0xa7: {  	s28 =	simm.s32 $_size_execute0_lowered;
	s3 =	sadd.s32 s3, s5;
	[dreg:$0x0] =	wrdreg $0x0  }
0xa8: {  	s5 =	sshll.u32 s28, $0x1;
	[dreg:$0x2] =	wrdreg s3  }
0xa9: {  	[dreg:$0x3] =	wrdreg s5  }
0xaa: {  	[dreg:$0x4] =	wrdreg $0xC0  }
0xab: {  	_ =	task [dreg:s7], $0x5FFFF  }
0xac: {  	[dreg:$0x1] =	wrdreg $0xFFFFFFFF  }
0xad: {  	[dreg:$0x0] =	wrdreg $0x60  }
0xae: {  	[dreg:$0x2] =	wrdreg s2  }
0xaf: {  	[dreg:$0x3] =	wrdreg s24  }
0xb0: {  	[dreg:$0x4] =	wrdreg $0x43000  }
0xb1: {  	[dreg:$0x5] =	wrdreg $0x9  }
0xb2: {  	_ =	task.clear_ibuf [dreg:s7], $0x6FFFF;
	_ =	strace $0x90000046  }
0xb3: {  	s29 =	simm.s32 $0x9;
	_ =	strace $0x80000048  }
0xb4: {  	_ =	swait.ge [sflag:s29], $0x1  }
0xb5: {  	[sflag:s29] =	ssyncadd.s32 $0xFFFFFFFF  }
0xb6: {  	_ =	strace $0x90000048  }
0xb7: {  	_ =	sfence  }
0xb8: {  	s30 =	sld [smem:$0x0];
	_ =	sdelay $0x2  }
0xb9: {  	s31 =	sshll.u32 s1, $0xD;
	s1 =	sshrl.u32 s1, $0x2  }
0xba: {  	s3 =	sand.u32 $0x4000, s31;
	s1 =	sadd.s32 s1, s30  }
0xbb: {  	s0 =	sor.u32 s3, s0;
	s1 =	sshll.u32 s1, $0x11  }
0xbc: {  	s0 =	sor.u32 s1, s0  }
0xbd: {  	s0 =	sadd.s32 $0x8F2B, s0  }
0xbe: {  	[sflag:s0] =	ssyncadd.remote.s32 $0x1  }
0xbf: {  	_ =	sfence.sel $0xFFFF  }
0xc0: {  	[dreg:$0x0] =	wrdreg $0xFFFFFFFF;
	(pc) =	sbr.abs _section_cstart, $3  }
0xc1: {  	[dreg:$0x1] =	wrdreg $0xFFFFFFFF  }
0xc2: {  	_ =	task.clear_ibuf [dreg:s7], $0x2FFFF;
	_ =	strace $0x9FFFFFFF  }
0xc3: {  	(tm) =	ssettm $0x7FFFFFFF  }
tec
execute0_lowered:
.L_overlay_start_1:
0x0: {  	(tag) =	ssettag $0x1  }
0x1: {  	s4 =	rddreg [dreg:$0x0]  }
0x2: {  	s5 =	rddreg [dreg:$0x1]  }
0x3: {  	s2 =	rddreg [dreg:$0x2]  }
0x4: {  	s0 =	rddreg [dreg:$0x3];
	s6 =	srdreg.scid  }
0x5: {  	s1 =	stileid.u32;
	s3 =	simm.s32 $0x0;
	s11 =	simm.s32 $0x4000  }
0x6: {  	s12 =	simm.s32 $0x1;
	s15 =	simm.s32 $0x20;
	s16 =	simm.s32 $0x10  }
0x7: {  	s17 =	simm.s32 $0x0;
	s6 =	sand.u32 $0x1, s6;
	s7 =	smul.u32 $0x500, s1  }
0x8: {  	[smem:$0x7FF] =	sst s3;
	s10 =	smul.u32 $0xA00, s1;
	s30 =	sshll.u32 s1, $0xB  }
0x9: {  	s13 =	sshll.u32 s1, $0x6;
	s8 =	sshll.u32 s6, $0x7;
	_ =	strace $0x80000047  }
0xa: {  	s29 =	ssub.s32 $0x2, s6;
	s6 =	sshll.u32 s6, $0xF;
	s13 =	sor.u32 $0x1C02, s13  }
0xb: {  	s7 =	sor.u32 s8, s7;
	s9 =	sshrl.u32 s29, $0x1;
	s31 =	sshrl.u32 s10, $0x2  }
0xc: {  	s10 =	simm.s32 $0x50;
	s7 =	sshrl.u32 s7, $0x3;
	s8 =	ssub.s32 s29, s9  }
0xd: {  	s9 =	simm.s32 $0x2;
	s7 =	sadd.s32 s7, s5;
	s5 =	sadd.s32 s4, s30  }
0xe: {  	s4 =	sadd.s32 s31, s2;
	s5 =	sadd.s32 s6, s5;
	s6 =	sadd.s32 $0x1C00, s7  }
0xf: {  	v0 =	vimm.f32 $1.000000000e+00;
	v1 =	vimm.f32 $0.0e+00;
	s7 =	smax.u32 s8, $0x1;
	s8 =	simm.s32 $0x4080;
	s14 =	sshrl.u32 s4, $0x3  }
.LBB2_1:
0x10: {  	[tilespmem:$0x4000] =	vst v0  }
0x11: {  	[tilespmem:$0x4010] =	vst v0  }
0x12: {  	[tilespmem:$0x4020] =	vst v0  }
0x13: {  	[tilespmem:$0x4030] =	vst v0  }
0x14: {  	[tilespmem:$0x4040] =	vst v0  }
0x15: {  	[tilespmem:$0x4080] =	vst v1  }
0x16: {  	[tilespmem:$0x4090] =	vst v1  }
0x17: {  	[tilespmem:$0x40A0] =	vst v1  }
0x18: {  	[tilespmem:$0x40B0] =	vst v1  }
0x19: {  	[tilespmem:$0x40C0] =	vst v1  }
0x1a: {  	[tilespmem:$0x40D0] =	vst v1  }
0x1b: {  	[tilespmem:$0x40E0] =	vst v1  }
0x1c: {  	[tilespmem:$0x40F0] =	vst v1  }
0x1d: {  	[tilespmem:$0x4100] =	vst v1  }
0x1e: {  	[tilespmem:$0x4110] =	vst v1  }
0x1f: {  	[tilespmem:$0x4120] =	vst v1  }
0x20: {  	[tilespmem:$0x4130] =	vst v1  }
0x21: {  	[tilespmem:$0x4140] =	vst v1  }
0x22: {  	[tilespmem:$0x4150] =	vst v1  }
0x23: {  	[tilespmem:$0x4160] =	vst v1  }
0x24: {  	[tilespmem:$0x4170] =	vst v1  }
0x25: {  	[tilespmem:$0x4180] =	vst v1  }
0x26: {  	[tilespmem:$0x4190] =	vst v1  }
0x27: {  	[tilespmem:$0x41A0] =	vst v1  }
0x28: {  	[tilespmem:$0x41B0] =	vst v1  }
0x29: {  	[tilespmem:$0x41C0] =	vst v1  }
0x2a: {  	[tilespmem:$0x41D0] =	vst v1  }
0x2b: {  	[tilespmem:$0x41E0] =	vst v1  }
0x2c: {  	[tilespmem:$0x41F0] =	vst v1  }
0x2d: {  	[tilespmem:$0x4200] =	vst v1  }
0x2e: {  	[tilespmem:$0x4210] =	vst v1  }
0x2f: {  	[tilespmem:$0x4220] =	vst v1  }
0x30: {  	[tilespmem:$0x4230] =	vst v1  }
0x31: {  	[tilespmem:$0x4240] =	vst v1  }
0x32: {  	[tilespmem:$0x4250] =	vst v1  }
0x33: {  	[tilespmem:$0x4260] =	vst v1  }
0x34: {  	[tilespmem:$0x4270] =	vst v1  }
0x35: {  	[tilespmem:$0x4280] =	vst v1  }
0x36: {  	[tilespmem:$0x4290] =	vst v1  }
0x37: {  	[tilespmem:$0x42A0] =	vst v1  }
0x38: {  	[tilespmem:$0x42B0] =	vst v1  }
0x39: {  	[tilespmem:$0x42C0] =	vst v1  }
0x3a: {  	[tilespmem:$0x42D0] =	vst v1  }
0x3b: {  	[tilespmem:$0x42E0] =	vst v1  }
0x3c: {  	[tilespmem:$0x42F0] =	vst v1  }
0x3d: {  	[spmem:s4] =	stream.linear.scatter [tilespmem:s8], [sflag:$0x2], $0x280, $0x38;
	[tilespmem:$0x4580] =	vst v63  }
0x3e: {  	_ =	swait.ge [sflag:s9], $0x280  }
0x3f: {  	[sflag:s9] =	ssyncset.done $0x0  }
0x40: {  	[sflag:s9] =	ssyncadd.s32 $0xFFFFFD80  }
0x41: {  	[bflag:$0x0] =	sbarrier.arrive $0xFFFF  }
0x42: {  	[tilespmem:s3], [sflag:$0x2] =	stream.linear.gather [hbm4b:s5+s3], $0x3E80, $0x38;
	[tilespmem:$0x4580] =	vst v63  }
0x43: {  	_ =	swait.ge [sflag:s9], $0x3E80  }
0x44: {  	[sflag:s9] =	ssyncset.done $0x0  }
0x45: {  	s18 =	simm.s32 $0x0;
	[sflag:s9] =	ssyncadd.s32 $0xFFFFC180  }
.LBB2_2:
0x46: {  	p0 =	sne.s32 s18, $0xF800  }
.Ltmp0:
0x47: {  	_ = 	snop;
	(pc) =	sbr.rel @p0 .LBB2_2-.Ltmp0, $3  }
0x48: {  	_ =	sdelay $0x1  }
0x49: {  	s19 =	sshra.s32 s18, $0x2;
	s18 =	sadd.s32 $0x200, s18  }
0x4a: {  	[spmem:s2] =	stream.indirect.scatter.add.f32 [tilespmem:s11], [sflag:$0x1], $0x1, s19, s10, $0xb8;
	[tilespmem:$0x4580] =	vst v63  }
0x4b: {  	_ =	swait.ge [sflag:s12], $0x50  }
0x4c: {  	s18 =	simm.s32 $0x7C;
	[sflag:s12] =	ssyncset.done $0x0  }
.LBB2_4:
0x4d: {  	p0 =	sne.s32 s18, $0x1;
	s18 =	sadd.s32 $0xFFFFFFFF, s18;
	[sflag:s12] =	ssyncadd.s32 $0xFFFFFFB0  }
.Ltmp1:
0x4e: {  	(pc) =	sbr.rel @p0 .LBB2_4-.Ltmp1, $3  }
0x4f: {  	_ =	sdelay $0x1  }
0x50: {  	_ =	swait.ge [sflag:s12], $0x50  }
0x51: {  	[sflag:s12] =	ssyncset.done $0x0  }
0x52: {  	s17 =	sadd.s32 $0x1, s17  }
0x53: {  	[sflag:s12] =	ssyncadd.s32 $0xFFFFFFB0;
	p0 =	sne.s32 s17, s7  }
.Ltmp2:
0x54: {  	[bflag:$0x0] =	sbarrier.arrive $0xFFFF;
	(pc) =	sbr.rel @p0 .LBB2_1-.Ltmp2, $4  }
0x55: {  	[hbm:s6@s15], [sflag:s13] =	dma.strided [spmem:s14@s16], $0x50, s12, $0x10   }
0x56: {  	_ =	swait.ge [sflag:s9], $0x50  }
0x57: {  	[sflag:s9] =	ssyncset.done $0x0  }
0x58: {  	[sflag:s9] =	ssyncadd.s32 $0xFFFFFFB0  }
0x59: {  	_ =	sfence.sel $0x180000  }
0x5a: {  	[bflag:$0x0] =	sbarrier.arrive $0xFFFF  }
0x5b: {  	p0 =	sne.s32 s1, $0x0;
	_ =	strace $0x90000047  }
0x5c: {  	s0 =	sadd.s32 @!p0 $0x100000, s0;
	[bflag:$0x2] =	sbarrier.arrive $0xFFFF  }
0x5d: {  	[sflag:s0] =	ssyncadd.tile.s32 @!p0 $0x1;
	_ =	shalt  }
.Lfunc_end2:
_tile_overlayer_lowered:
.L_overlay_start_2:
0x5e: {  	(tag) =	ssettag $0x2  }
0x5f: {  	s0 =	rddreg [dreg:$0x0];
	s2 =	stileid.u32  }
0x60: {  	s1 =	rddreg [dreg:$0x1];
	p0 =	sne.s32 s2, $0x0  }
0x61: {  	s3 =	rddreg [dreg:$0x2];
	[bflag:$0x3] =	sbarrier.arrive $0xFFFF;
	s2 =	simm.s32 @!p0 $0x1C02  }
0x62: {  	[timem:s3], [sflag:s2] =	dma.local @!p0 [hbm:s0], s1  }
0x63: {  	s0 =	simm.s32 @!p0 $0x2  }
0x64: {  	_ =	swait.ge @!p0 [sflag:s0], s1  }
0x65: {  	s1 =	ssub.s32 @!p0 $0x0, s1;
	[sflag:s0] =	ssyncset.done @!p0 $0x0  }
0x66: {  	[sflag:s0] =	ssyncadd.s32 @!p0 s1  }
0x67: {  	[bflag:$0x3] =	sbarrier.arrive $0xFFFF  }
0x68: {  	_ =	shalt  }

// kernel: kernel.9.cloned.1.call-start
scs
__scs_entry_jumppad:
0x0: {  	(pc) =	sbr.rel $0x88, $3  }
0x1: {  	(tag) =	ssettag $0x0;
	lr =	simm.s32 $0x1  }
0x2: {  	[smem:$0x3F9A] =	sst lr;
	_ =	strace $0xD0000000  }
0x3: {  	_ = 	snop  }
0x4: {  	_ = 	snop  }
0x5: {  	_ = 	snop  }
0x6: {  	_ = 	snop  }
0x7: {  	_ = 	snop  }
__scs_overlays_trampoline_lowered:
0x8: {  	[smem:$0x3FA9] =	sst s0  }
0x9: {  	[smem:$0x3FAA] =	sst s1  }
0xa: {  	[smem:$0x3FAB] =	sst s2  }
0xb: {  	[smem:$0x3FAC] =	sst s3  }
0xc: {  	[smem:$0x3FAD] =	sst s4  }
0xd: {  	[smem:$0x3FAE] =	sst s5  }
0xe: {  	[smem:$0x3FAF] =	sst s6  }
0xf: {  	[smem:$0x3FB0] =	sst s7  }
0x10: {  	[smem:$0x3FB1] =	sst s8  }
0x11: {  	[smem:$0x3FB2] =	sst s9;
	s0 =	simm.s32 @!p0 $0x0  }
0x12: {  	s1 =	sld [smem:$0x3F98];
	s0 =	simm.s32 @p0 $0x1  }
0x13: {  	[smem:$0x3FB3] =	sst s0;
	s0 =	simm.s32 @!p1 $0x0  }
0x14: {  	s2 =	sld [smem:$0x3F97];
	s0 =	simm.s32 @p1 $0x1  }
0x15: {  	[smem:$0x3FB4] =	sst s0;
	s0 =	simm.s32 @!p2 $0x0  }
0x16: {  	s3 =	sld [smem:$0x3FDB];
	s0 =	simm.s32 @p2 $0x1  }
0x17: {  	s4 =	simm.s32 $0x1BF5;
	[smem:$0x3FB6] =	sst s0  }
0x18: {  	s0 =	sld [smem:$0x3F99];
	_ =	swait.ge [sflag:s4], $0x0  }
0x19: {  	s7 =	sld [smem:$0x3F9A]  }
0x1a: {  	s8 =	sadd.s32 $0xFFFFE003, lr  }
0x1b: {  	s9 =	sadd.s32 $0xFFFFFEF7, lr;
	s5 =	simm.s32 $0xFFFFFFFF;
	p2 =	slt.u32 s8, $0xFFFFF086  }
0x1c: {  	p1 =	slt.u32 s9, $0xF7A;
	s5 =	simm.s32 @!p2 $0x0  }
0x1d: {  	s5 =	simm.s32 @p1 $0x1;
	p0 =	seq.s32 s7, s2  }
0x1e: {  	s7 =	smul.u32 @!p0 $0xF7A, s2;
	p2 =	seq.s32 @!p0 s5, $0x0  }
0x1f: {  	s9 =	smul.u32 $0xF7A, s1;
	s8 =	simm.s32 @!p0 $0x1BF5;
	p2 =	por !p2, p0  }
0x20: {  	[sflag:s8] =	ssyncset.s32 @!p0 $0xFFFFF086;
	s6 =	sadd.s32 @!p0 s3, s7;
	s7 =	simm.s32 @!p0 $0x108  }
0x21: {  	s3 =	sadd.s32 s3, s9;
	s6 =	sadd.s32 @!p0 $0x88, s6;
	s7 =	simm.s32 @p2 $0x1082  }
0x22: {  	[simem:s7], [sflag:s8] =	dma.local @!p0 [hbm:s6], $0xF7A  }
0x23: {  	s9 =	sor.u32 $0xD0000000, s2;
	s6 =	simm.s32 $0x108;
	_ =	swait.ge @!p0 [sflag:s8], $0x0  }
0x24: {  	s3 =	sadd.s32 $0x88, s3;
	s6 =	simm.s32 @!p1 $0x1082;
	[sflag:s4] =	ssyncset.s32 $0xFFFFF086  }
0x25: {  	[simem:s6], [sflag:s4] =	dma.local [hbm:s3], $0xF7A  }
0x26: {  	[smem:$0x3F9A] =	sst s1;
	(tag) =	ssettag s2;
	_ =	strace s9  }
0x27: {  	s1 =	sld [smem:$0x3FAA]  }
0x28: {  	s2 =	sld [smem:$0x3FAB]  }
0x29: {  	s4 =	sld [smem:$0x3FAD]  }
0x2a: {  	p0 =	seq.s32 s5, $0x0;
	s5 =	sld [smem:$0x3FAE]  }
0x2b: {  	s6 =	sld [smem:$0x3FAF]  }
0x2c: {  	s7 =	sld [smem:$0x3FB0]  }
0x2d: {  	s3 =	simm.s32 $0x108;
	s8 =	sld [smem:$0x3FB1]  }
0x2e: {  	s3 =	simm.s32 @!p0 $0x1082;
	s9 =	sld [smem:$0x3FB2]  }
0x2f: {  	lr =	sadd.s32 s0, s3;
	s0 =	sld [smem:$0x3FA9]  }
0x30: {  	s3 =	sld [smem:$0x3FAC]  }
0x31: {  	[smem:$0x3FB5] =	sst s10  }
0x32: {  	s10 =	sld [smem:$0x3FB3];
	_ =	sdelay $0x3  }
0x33: {  	p0 =	seq.s32 s10, $0x1;
	s10 =	sld [smem:$0x3FB5];
	_ =	sdelay $0x3  }
0x34: {  	[smem:$0x3FB5] =	sst s10  }
0x35: {  	s10 =	sld [smem:$0x3FB4];
	_ =	sdelay $0x3  }
0x36: {  	p1 =	seq.s32 s10, $0x1;
	s10 =	sld [smem:$0x3FB5];
	_ =	sdelay $0x3  }
0x37: {  	[smem:$0x3FB5] =	sst s10  }
0x38: {  	s10 =	sld [smem:$0x3FB6]  }
0x39: {  	_ = 	snop;
	(pc) =	sbr.ind lr, $3  }
0x3a: {  	_ = 	snop  }
0x3b: {  	_ = 	snop  }
0x3c: {  	p2 =	seq.s32 s10, $0x1;
	s10 =	sld [smem:$0x3FB5]  }
0x3d: {  	_ =	shalt  }
0x3e: {  	_ =	shalt  }
0x3f: {  	_ =	shalt  }
0x40: {  	_ =	shalt  }
0x41: {  	_ =	shalt  }
0x42: {  	_ =	shalt  }
0x43: {  	_ =	shalt  }
0x44: {  	_ =	shalt  }
0x45: {  	_ =	shalt  }
0x46: {  	_ =	shalt  }
0x47: {  	_ =	shalt  }
0x48: {  	_ =	shalt  }
0x49: {  	_ =	shalt  }
0x4a: {  	_ =	shalt  }
0x4b: {  	_ =	shalt  }
0x4c: {  	_ =	shalt  }
0x4d: {  	_ =	shalt  }
0x4e: {  	_ =	shalt  }
0x4f: {  	_ =	shalt  }
0x50: {  	_ =	shalt  }
0x51: {  	_ =	shalt  }
0x52: {  	_ =	shalt  }
0x53: {  	_ =	shalt  }
0x54: {  	_ =	shalt  }
0x55: {  	_ =	shalt  }
0x56: {  	_ =	shalt  }
0x57: {  	_ =	shalt  }
0x58: {  	_ =	shalt  }
0x59: {  	_ =	shalt  }
0x5a: {  	_ =	shalt  }
0x5b: {  	_ =	shalt  }
0x5c: {  	_ =	shalt  }
0x5d: {  	_ =	shalt  }
0x5e: {  	_ =	shalt  }
0x5f: {  	_ =	shalt  }
0x60: {  	_ =	shalt  }
0x61: {  	_ =	shalt  }
0x62: {  	_ =	shalt  }
0x63: {  	_ =	shalt  }
0x64: {  	_ =	shalt  }
0x65: {  	_ =	shalt  }
0x66: {  	_ =	shalt  }
0x67: {  	_ =	shalt  }
0x68: {  	_ =	shalt  }
0x69: {  	_ =	shalt  }
0x6a: {  	_ =	shalt  }
0x6b: {  	_ =	shalt  }
0x6c: {  	_ =	shalt  }
0x6d: {  	_ =	shalt  }
0x6e: {  	_ =	shalt  }
0x6f: {  	_ =	shalt  }
0x70: {  	_ =	shalt  }
0x71: {  	_ =	shalt  }
0x72: {  	_ =	shalt  }
0x73: {  	_ =	shalt  }
0x74: {  	_ =	shalt  }
0x75: {  	_ =	shalt  }
0x76: {  	_ =	shalt  }
0x77: {  	_ =	shalt  }
0x78: {  	_ =	shalt  }
0x79: {  	_ =	shalt  }
0x7a: {  	_ =	shalt  }
0x7b: {  	_ =	shalt  }
0x7c: {  	_ =	shalt  }
0x7d: {  	_ =	shalt  }
0x7e: {  	_ =	shalt  }
0x7f: {  	_ =	shalt  }
0x80: {  	_ =	shalt  }
0x81: {  	_ =	shalt  }
0x82: {  	_ =	shalt  }
0x83: {  	_ =	shalt  }
0x84: {  	_ =	shalt  }
0x85: {  	_ =	shalt  }
0x86: {  	_ =	shalt  }
0x87: {  	_ =	shalt  }
.Lfunc_end0:
.L_simem_size_0:
called_computation.1_lowered:
.L_overlay_start_0:
0x88: {  	s2 =	sld [smem:$0x3FD9]  }
0x89: {  	s3 =	sld [smem:$0x3FFE];
	_ =	sdelay $0x1  }
0x8a: {  	s1 =	srdreg.scid  }
0x8b: {  	s0 =	sand.u32 $0x1, s1  }
0x8c: {  	s17 =	sshll.u32 s0, $0xA;
	s2 =	sadd.s32 s3, s2  }
0x8d: {  	s2 =	sadd.s32 s2, s17  }
0x8e: {  	[smem:$0x3FC1] =	sst s2  }
0x8f: {  	_ = 	snop  }
0x90: {  	s2 =	sld [smem:$0x3FD0];
	(tm) =	ssettm $0x1  }
0x91: {  	s18 =	sld [smem:$0x3FFB];
	_ =	sdelay $0x3  }
0x92: {  	_ =	strace s18  }
0x93: {  	s3 =	sld [smem:$0x3FFC];
	_ =	sdelay $0x3  }
0x94: {  	_ =	strace s3  }
0x95: {  	s3 =	sld [smem:$0x3FFD];
	_ =	sdelay $0x3  }
0x96: {  	_ =	strace s3  }
0x97: {  	_ =	strace $0x8FFFFFFF  }
0x98: {  	s19 =	sld [smem:$0x3FDB];
	_ =	sdelay $0x1  }
0x99: {  	s4 =	simm.s32 $_scs_section_size  }
0x9a: {  	s5 =	simm.s32 $_size__tile_overlayer_lowered;
	s6 =	simm.s32 $_tile_overlayer_lowered  }
0x9b: {  	s22 =	simm.s32 $0x1BFF;
	s21 =	sshll.u32 s6, $0x1;
	s3 =	sadd.s32 s4, s19  }
0x9c: {  	s7 =	simm.s32 $0x0;
	s20 =	sshll.u32 s5, $0x1;
	s5 =	sadd.s32 s21, s3  }
0x9d: {  	[timem:s7], [sflag:s22] =	dma.local [hbm:s5], s20  }
0x9e: {  	_ =	swait.ge [sflag:s22], s20  }
0x9f: {  	s4 =	ssub.s32 $0x0, s20;
	[sflag:s22] =	ssyncset.done $0x0  }
0xa0: {  	[sflag:s22] =	ssyncadd.s32 s4;
	_ =	sdelay $0x1  }
0xa1: {  	s23 =	simm.s32 $0x1B8B  }
0xa2: {  	_ =	swait.ge [sflag:s23], $0x1  }
0xa3: {  	[sflag:s23] =	ssyncset.done $0x0  }
0xa4: {  	s25 =	simm.s32 $0x1B8E;
	s24 =	sld [smem:$0x3FFE];
	[sflag:s23] =	ssyncadd.s32 $0xFFFFFFFF  }
0xa5: {  	s26 =	simm.s32 $execute0_lowered;
	[smem:$0x3FD2] =	sst s25  }
0xa6: {  	s5 =	sshll.u32 s26, $0x1;
	_ =	strace $0x80000049;
	[dreg:$0x1] =	wrdreg $0xFFFFFFFF  }
0xa7: {  	s28 =	simm.s32 $_size_execute0_lowered;
	s3 =	sadd.s32 s3, s5;
	[dreg:$0x0] =	wrdreg $0x0  }
0xa8: {  	s5 =	sshll.u32 s28, $0x1;
	[dreg:$0x2] =	wrdreg s3  }
0xa9: {  	[dreg:$0x3] =	wrdreg s5  }
0xaa: {  	[dreg:$0x4] =	wrdreg $0xC0  }
0xab: {  	_ =	task [dreg:s7], $0x5FFFF  }
0xac: {  	[dreg:$0x1] =	wrdreg $0xFFFFFFFF  }
0xad: {  	[dreg:$0x0] =	wrdreg $0x60  }
0xae: {  	[dreg:$0x2] =	wrdreg s2  }
0xaf: {  	[dreg:$0x3] =	wrdreg s24  }
0xb0: {  	[dreg:$0x4] =	wrdreg $0xA1000  }
0xb1: {  	[dreg:$0x5] =	wrdreg $0x9  }
0xb2: {  	_ =	task.clear_ibuf [dreg:s7], $0x6FFFF;
	_ =	strace $0x90000049  }
0xb3: {  	s29 =	simm.s32 $0x9;
	_ =	strace $0x8000004B  }
0xb4: {  	_ =	swait.ge [sflag:s29], $0x1  }
0xb5: {  	[sflag:s29] =	ssyncadd.s32 $0xFFFFFFFF  }
0xb6: {  	_ =	strace $0x9000004B  }
0xb7: {  	_ =	sfence  }
0xb8: {  	s30 =	sld [smem:$0x0];
	_ =	sdelay $0x2  }
0xb9: {  	s31 =	sshll.u32 s1, $0xD;
	s1 =	sshrl.u32 s1, $0x2  }
0xba: {  	s3 =	sand.u32 $0x4000, s31;
	s1 =	sadd.s32 s1, s30  }
0xbb: {  	s0 =	sor.u32 s3, s0;
	s1 =	sshll.u32 s1, $0x11  }
0xbc: {  	s0 =	sor.u32 s1, s0  }
0xbd: {  	s0 =	sadd.s32 $0x8F2B, s0  }
0xbe: {  	[sflag:s0] =	ssyncadd.remote.s32 $0x1  }
0xbf: {  	_ =	sfence.sel $0xFFFF  }
0xc0: {  	[dreg:$0x0] =	wrdreg $0xFFFFFFFF;
	(pc) =	sbr.abs _section_cstart, $3  }
0xc1: {  	[dreg:$0x1] =	wrdreg $0xFFFFFFFF  }
0xc2: {  	_ =	task.clear_ibuf [dreg:s7], $0x2FFFF;
	_ =	strace $0x9FFFFFFF  }
0xc3: {  	(tm) =	ssettm $0x7FFFFFFF  }
tec
execute0_lowered:
.L_overlay_start_1:
0x0: {  	(tag) =	ssettag $0x1  }
0x1: {  	s1 =	rddreg [dreg:$0x0]  }
0x2: {  	s0 =	rddreg [dreg:$0x1]  }
0x3: {  	s2 =	rddreg [dreg:$0x2];
	s3 =	srdreg.scid;
	s4 =	simm.s32 $0x0  }
0x4: {  	s10 =	stileid.u32;
	s28 =	simm.s32 $0x1;
	s29 =	simm.s32 $0x3  }
0x5: {  	s30 =	simm.s32 $0x2;
	s31 =	simm.s32 $0x4;
	s3 =	sand.u32 $0x1, s3  }
0x6: {  	[smem:$0x7FF] =	sst s4;
	s6 =	sshll.u32 s10, $0x4;
	s8 =	smul.u32 $0x13C00, s10  }
0x7: {  	s9 =	sadd.s32 $0xC800, s0;
	s14 =	smul.u32 $0x4F000, s10;
	s15 =	sadd.s32 $0x18800, s0  }
0x8: {  	s13 =	sshll.u32 s3, $0x4;
	_ =	strace $0x8000004A;
	s7 =	smul.u32 $0x13C000, s3  }
0x9: {  	s6 =	sand.u32 $0x70, s6;
	s3 =	ssub.s32 $0x2, s3;
	s4 =	sor.u32 s10, s13  }
0xa: {  	s18 =	sshrl.u32 s14, $0x2;
	s19 =	sshrl.u32 s3, $0x1;
	s5 =	sshll.u32 s4, $0x4  }
0xb: {  	s17 =	sadd.s32 s8, s7;
	s4 =	smul.u32 $0x3000, s4;
	s3 =	ssub.s32 s3, s19  }
0xc: {  	s8 =	simm.s32 $0x0;
	s5 =	sand.u32 $0x180, s5;
	s7 =	sshrl.u32 s17, $0x3  }
0xd: {  	s19 =	smax.u32 s3, $0x1;
	s3 =	simm.s32 $0x1E00;
	s5 =	sor.u32 s6, s5  }
0xe: {  	s4 =	sshrl.u32 s4, $0x3;
	s6 =	simm.s32 $0xA080;
	s16 =	sadd.s32 s5, s0  }
0xf: {  	s5 =	sadd.s32 s18, s2;
	s0 =	sadd.s32 s7, s0;
	s10 =	sadd.s32 s9, s4  }
0x10: {  	s24 =	sadd.s32 $0x200, s4;
	s11 =	sadd.s32 s15, s4;
	s4 =	sadd.s32 $0x400, s4  }
0x11: {  	s7 =	simm.s32 $0x10;
	s20 =	sadd.s32 $0x4000, s5;
	s21 =	sadd.s32 $0x8000, s5  }
0x12: {  	s22 =	sadd.s32 $0xC000, s5;
	s23 =	sadd.s32 $0x10000, s5;
	[dreg:$0x4] =	wrdreg s20  }
0x13: {  	s12 =	sadd.s32 s9, s24;
	s13 =	sadd.s32 s15, s24;
	[dreg:$0x5] =	wrdreg s21  }
0x14: {  	s14 =	sadd.s32 s9, s4;
	s15 =	sadd.s32 s15, s4;
	[dreg:$0x6] =	wrdreg s22  }
0x15: {  	s25 =	sadd.s32 $0xC400, s16;
	s26 =	sadd.s32 $0xC600, s16;
	[dreg:$0x7] =	wrdreg s23  }
0x16: {  	s18 =	sadd.s32 $0x24800, s0;
	s24 =	simm.s32 $0x1800;
	[dreg:$0x8] =	wrdreg s25  }
0x17: {  	s0 =	simm.s32 $0x1600;
	s4 =	simm.s32 $0xA000;
	[dreg:$0x9] =	wrdreg s26  }
0x18: {  	s20 =	simm.s32 $0x2000;
	s21 =	simm.s32 $0x5;
	s22 =	simm.s32 $0x800  }
0x19: {  	v0 =	vimm.f32 $0.0e+00;
	s23 =	simm.s32 $0x1000;
	s25 =	simm.s32 $0x80;
	s26 =	simm.s32 $0x6000  }
.LBB2_1:
0x1a: {  	s9 =	simm.s32 $0x0;
	s16 =	simm.s32 $0x200  }
.LBB2_2:
0x1b: {  	p0 =	sne.s32 s16, $0xFE00;
	[tilespmem:s9+$0x2070] =	vst v0  }
0x1c: {  	[tilespmem:s9+$0x2000] =	vst v0  }
0x1d: {  	[tilespmem:s9+$0x2010] =	vst v0  }
.Ltmp0:
0x1e: {  	[tilespmem:s9+$0x2020] =	vst v0;
	(pc) =	sbr.rel @p0 .LBB2_2-.Ltmp0, $4  }
0x1f: {  	[tilespmem:s9+$0x2030] =	vst v0  }
0x20: {  	[tilespmem:s9+$0x2040] =	vst v0  }
0x21: {  	[tilespmem:s9+$0x2050] =	vst v0  }
0x22: {  	[tilespmem:s9+$0x2060] =	vst v0;
	s9 =	sshra.s32 s16, $0x2;
	s16 =	sadd.s32 $0x200, s16  }
0x23: {  	[tilespmem:s9+$0x2070] =	vst v0  }
0x24: {  	[tilespmem:s9+$0x2000] =	vst v0  }
0x25: {  	[tilespmem:s9+$0x2010] =	vst v0  }
0x26: {  	[tilespmem:s9+$0x2020] =	vst v0  }
0x27: {  	[tilespmem:s9+$0x2030] =	vst v0  }
0x28: {  	[tilespmem:s9+$0x2040] =	vst v0  }
0x29: {  	[tilespmem:s9+$0x2050] =	vst v0  }
0x2a: {  	[tilespmem:s9+$0x2060] =	vst v0  }
0x2b: {  	[spmem:s5] =	stream.linear.scatter [tilespmem:s20], [sflag:$0x5], $0x4000, $0x38;
	[tilespmem:$0x1DD00] =	vst v63  }
0x2c: {  	_ =	swait.ge [sflag:s21], $0x4000  }
0x2d: {  	[sflag:s21] =	ssyncset.done $0x0  }
0x2e: {  	s17 =	rddreg [dreg:$0x4];
	[sflag:s21] =	ssyncadd.s32 $0xFFFFC000  }
0x2f: {  	[spmem:s17] =	stream.linear.scatter [tilespmem:s20], [sflag:$0x5], $0x4000, $0x38;
	[tilespmem:$0x1DD00] =	vst v63  }
0x30: {  	_ =	swait.ge [sflag:s21], $0x4000  }
0x31: {  	[sflag:s21] =	ssyncset.done $0x0  }
0x32: {  	s16 =	rddreg [dreg:$0x5];
	[sflag:s21] =	ssyncadd.s32 $0xFFFFC000  }
0x33: {  	[spmem:s16] =	stream.linear.scatter [tilespmem:s20], [sflag:$0x5], $0x4000, $0x38;
	[tilespmem:$0x1DD00] =	vst v63  }
0x34: {  	_ =	swait.ge [sflag:s21], $0x4000  }
0x35: {  	[sflag:s21] =	ssyncset.done $0x0  }
0x36: {  	s17 =	rddreg [dreg:$0x6];
	[sflag:s21] =	ssyncadd.s32 $0xFFFFC000  }
0x37: {  	[spmem:s17] =	stream.linear.scatter [tilespmem:s20], [sflag:$0x5], $0x4000, $0x38;
	[tilespmem:$0x1DD00] =	vst v63  }
0x38: {  	_ =	swait.ge [sflag:s21], $0x4000  }
0x39: {  	[sflag:s21] =	ssyncset.done $0x0  }
0x3a: {  	s16 =	rddreg [dreg:$0x7];
	[sflag:s21] =	ssyncadd.s32 $0xFFFFC000  }
0x3b: {  	[spmem:s16] =	stream.linear.scatter [tilespmem:s20], [sflag:$0x5], $0x3C00, $0x38;
	[tilespmem:$0x1DD00] =	vst v63  }
0x3c: {  	_ =	swait.ge [sflag:s21], $0x3C00  }
0x3d: {  	[sflag:s21] =	ssyncset.done $0x0  }
0x3e: {  	[sflag:s21] =	ssyncadd.s32 $0xFFFFC400  }
0x3f: {  	s9 =	simm.s32 $0x0;
	[bflag:$0x0] =	sbarrier.arrive $0xFFFF  }
0x40: {  	[tilespmem:s9], [sflag:$0x5] =	stream.linear.gather [hbm4b:s10+s9], $0x680, $0x38;
	[tilespmem:$0x1DD00] =	vst v63  }
0x41: {  	s16 =	sadd.s32 $0x100, s10  }
0x42: {  	[tilespmem:s22], [sflag:$0x5] =	stream.linear.gather [hbm4b:s16+s9], $0x680, $0x38;
	[tilespmem:$0x1DD00] =	vst v63  }
0x43: {  	_ =	swait.ge [sflag:s21], $0xD00  }
0x44: {  	[sflag:s21] =	ssyncset.done $0x0  }
0x45: {  	[sflag:s21] =	ssyncadd.s32 $0xFFFFF300  }
0x46: {  	[tilespmem:s23], [sflag:$0x5] =	stream.linear.gather [hbm4b:s11+s9], $0x680, $0x38;
	[tilespmem:$0x1DD00] =	vst v63  }
0x47: {  	s17 =	sadd.s32 $0x100, s11  }
0x48: {  	[tilespmem:s24], [sflag:$0x5] =	stream.linear.gather [hbm4b:s17+s9], $0x680, $0x38;
	[tilespmem:$0x1DD00] =	vst v63  }
0x49: {  	_ =	swait.ge [sflag:s21], $0xD00  }
0x4a: {  	[sflag:s21] =	ssyncset.done $0x0  }
0x4b: {  	[sflag:s21] =	ssyncadd.s32 $0xFFFFF300  }
0x4c: {  	[tilespmem:s20], [sflag:$0x1] =	stream.indirect.gather [hbm4b:s1+s25], $0x80, s9, s25, $0xb8;
	[tilespmem:$0x1DD00] =	vst v63  }
0x4d: {  	_ = 	snop  }
0x4e: {  	[tilespmem:s26], [sflag:$0x2] =	stream.indirect.gather [hbm4b:s1+s25], $0x80, s22, s25, $0xb8;
	[tilespmem:$0x1DD00] =	vst v63  }
0x4f: {  	_ =	swait.ge [sflag:s28], $0x4000  }
0x50: {  	[sflag:s28] =	ssyncset.done $0x0  }
0x51: {  	s17 =	simm.s32 $0x1000;
	[sflag:s28] =	ssyncadd.s32 $0xFFFFC000  }
0x52: {  	[spmem:s2] =	stream.indirect.scatter.add.f32 [tilespmem:s20], [sflag:$0x3], $0x80, s17, s25, $0xb8;
	[tilespmem:$0x1DD00] =	vst v63  }
0x53: {  	_ =	swait.ge [sflag:s29], $0x4000  }
0x54: {  	[sflag:s29] =	ssyncset.done $0x0  }
0x55: {  	s16 =	simm.s32 $0x80;
	[sflag:s29] =	ssyncadd.s32 $0xFFFFC000  }
0x56: {  	[tilespmem:s20], [sflag:$0x1] =	stream.indirect.gather [hbm4b:s1+s25], $0x80, s16, s25, $0xb8;
	[tilespmem:$0x1DD00] =	vst v63  }
0x57: {  	_ =	swait.ge [sflag:s30], $0x4000  }
0x58: {  	[sflag:s30] =	ssyncset.done $0x0  }
0x59: {  	s17 =	simm.s32 $0x1800;
	[sflag:s30] =	ssyncadd.s32 $0xFFFFC000  }
0x5a: {  	[spmem:s2] =	stream.indirect.scatter.add.f32 [tilespmem:s26], [sflag:$0x4], $0x80, s17, s25, $0xb8;
	[tilespmem:$0x1DD00] =	vst v63  }
0x5b: {  	_ =	swait.ge [sflag:s31], $0x4000  }
0x5c: {  	[sflag:s31] =	ssyncset.done $0x0  }
0x5d: {  	s9 =	simm.s32 $0x200;
	s16 =	simm.s32 $0x880;
	[sflag:s31] =	ssyncadd.s32 $0xFFFFC000  }
.LBB2_4:
0x5e: {  	[tilespmem:s26], [sflag:$0x2] =	stream.indirect.gather [hbm4b:s1+s25], $0x80, s16, s25, $0xb8;
	[tilespmem:$0x1DD00] =	vst v63  }
0x5f: {  	s16 =	smov.u32 s9  }
0x60: {  	p0 =	sne.s32 s9, $0x1600;
	s9 =	sadd.s32 $0x200, s9;
	_ =	swait.ge [sflag:s28], $0x4000  }
0x61: {  	s16 =	sshra.s32 s16, $0x2;
	[sflag:s28] =	ssyncset.done $0x0  }
0x62: {  	s17 =	sadd.s32 $0x1000, s16;
	[sflag:s28] =	ssyncadd.s32 $0xFFFFC000  }
0x63: {  	[spmem:s2] =	stream.indirect.scatter.add.f32 [tilespmem:s20], [sflag:$0x3], $0x80, s17, s25, $0xb8;
	[tilespmem:$0x1DD00] =	vst v63  }
0x64: {  	_ =	swait.ge [sflag:s29], $0x4000  }
0x65: {  	[sflag:s29] =	ssyncset.done $0x0  }
0x66: {  	s17 =	sadd.s32 $0x80, s16;
	[sflag:s29] =	ssyncadd.s32 $0xFFFFC000  }
0x67: {  	[tilespmem:s20], [sflag:$0x1] =	stream.indirect.gather [hbm4b:s1+s25], $0x80, s17, s25, $0xb8;
	[tilespmem:$0x1DD00] =	vst v63  }
0x68: {  	_ =	swait.ge [sflag:s30], $0x4000  }
0x69: {  	[sflag:s30] =	ssyncset.done $0x0  }
.Ltmp1:
0x6a: {  	s17 =	sadd.s32 $0x1800, s16;
	[sflag:s30] =	ssyncadd.s32 $0xFFFFC000;
	(pc) =	sbr.rel @p0 .LBB2_4-.Ltmp1, $4  }
0x6b: {  	[spmem:s2] =	stream.indirect.scatter.add.f32 [tilespmem:s26], [sflag:$0x4], $0x80, s17, s25, $0xb8;
	[tilespmem:$0x1DD00] =	vst v63  }
0x6c: {  	_ =	swait.ge [sflag:s31], $0x4000  }
0x6d: {  	[sflag:s31] =	ssyncset.done $0x0  }
0x6e: {  	s16 =	sadd.s32 $0x880, s16;
	[sflag:s31] =	ssyncadd.s32 $0xFFFFC000  }
0x6f: {  	[tilespmem:s26], [sflag:$0x2] =	stream.indirect.gather [hbm4b:s1+s25], $0x80, s16, s25, $0xb8;
	[tilespmem:$0x1DD00] =	vst v63  }
0x70: {  	_ =	swait.ge [sflag:s28], $0x4000  }
0x71: {  	[sflag:s28] =	ssyncset.done $0x0  }
0x72: {  	[sflag:s28] =	ssyncadd.s32 $0xFFFFC000  }
0x73: {  	[spmem:s2] =	stream.indirect.scatter.add.f32 [tilespmem:s20], [sflag:$0x3], $0x80, s0, s25, $0xb8;
	[tilespmem:$0x1DD00] =	vst v63  }
0x74: {  	_ =	swait.ge [sflag:s29], $0x4000  }
0x75: {  	[sflag:s29] =	ssyncset.done $0x0  }
0x76: {  	[sflag:s29] =	ssyncadd.s32 $0xFFFFC000  }
0x77: {  	_ =	swait.ge [sflag:s30], $0x4000  }
0x78: {  	[sflag:s30] =	ssyncset.done $0x0  }
0x79: {  	[sflag:s30] =	ssyncadd.s32 $0xFFFFC000  }
0x7a: {  	[spmem:s2] =	stream.indirect.scatter.add.f32 [tilespmem:s26], [sflag:$0x4], $0x80, s3, s25, $0xb8;
	[tilespmem:$0x1DD00] =	vst v63  }
0x7b: {  	_ =	swait.ge [sflag:s31], $0x4000  }
0x7c: {  	[sflag:s31] =	ssyncset.done $0x0  }
0x7d: {  	s9 =	simm.s32 $0x0;
	[sflag:s31] =	ssyncadd.s32 $0xFFFFC000  }
0x7e: {  	[tilespmem:s9], [sflag:$0x5] =	stream.linear.gather [hbm4b:s12+s9], $0x680, $0x38;
	[tilespmem:$0x1DD00] =	vst v63  }
0x7f: {  	s17 =	sadd.s32 $0x100, s12  }
0x80: {  	[tilespmem:s22], [sflag:$0x5] =	stream.linear.gather [hbm4b:s17+s9], $0x680, $0x38;
	[tilespmem:$0x1DD00] =	vst v63  }
0x81: {  	_ =	swait.ge [sflag:s21], $0xD00  }
0x82: {  	[sflag:s21] =	ssyncset.done $0x0  }
0x83: {  	[sflag:s21] =	ssyncadd.s32 $0xFFFFF300  }
0x84: {  	[tilespmem:s23], [sflag:$0x5] =	stream.linear.gather [hbm4b:s13+s9], $0x680, $0x38;
	[tilespmem:$0x1DD00] =	vst v63  }
0x85: {  	s17 =	sadd.s32 $0x100, s13  }
0x86: {  	[tilespmem:s24], [sflag:$0x5] =	stream.linear.gather [hbm4b:s17+s9], $0x680, $0x38;
	[tilespmem:$0x1DD00] =	vst v63  }
0x87: {  	_ =	swait.ge [sflag:s21], $0xD00  }
0x88: {  	[sflag:s21] =	ssyncset.done $0x0  }
0x89: {  	[sflag:s21] =	ssyncadd.s32 $0xFFFFF300  }
0x8a: {  	[tilespmem:s20], [sflag:$0x1] =	stream.indirect.gather [hbm4b:s1+s25], $0x80, s9, s25, $0xb8;
	[tilespmem:$0x1DD00] =	vst v63  }
0x8b: {  	_ = 	snop  }
0x8c: {  	[tilespmem:s26], [sflag:$0x2] =	stream.indirect.gather [hbm4b:s1+s25], $0x80, s22, s25, $0xb8;
	[tilespmem:$0x1DD00] =	vst v63  }
0x8d: {  	_ =	swait.ge [sflag:s28], $0x4000  }
0x8e: {  	[sflag:s28] =	ssyncset.done $0x0  }
0x8f: {  	s17 =	simm.s32 $0x1000;
	[sflag:s28] =	ssyncadd.s32 $0xFFFFC000  }
0x90: {  	[spmem:s2] =	stream.indirect.scatter.add.f32 [tilespmem:s20], [sflag:$0x3], $0x80, s17, s25, $0xb8;
	[tilespmem:$0x1DD00] =	vst v63  }
0x91: {  	_ =	swait.ge [sflag:s29], $0x4000  }
0x92: {  	[sflag:s29] =	ssyncset.done $0x0  }
0x93: {  	s16 =	simm.s32 $0x80;
	[sflag:s29] =	ssyncadd.s32 $0xFFFFC000  }
0x94: {  	[tilespmem:s20], [sflag:$0x1] =	stream.indirect.gather [hbm4b:s1+s25], $0x80, s16, s25, $0xb8;
	[tilespmem:$0x1DD00] =	vst v63  }
0x95: {  	_ =	swait.ge [sflag:s30], $0x4000  }
0x96: {  	[sflag:s30] =	ssyncset.done $0x0  }
0x97: {  	s17 =	simm.s32 $0x1800;
	[sflag:s30] =	ssyncadd.s32 $0xFFFFC000  }
0x98: {  	[spmem:s2] =	stream.indirect.scatter.add.f32 [tilespmem:s26], [sflag:$0x4], $0x80, s17, s25, $0xb8;
	[tilespmem:$0x1DD00] =	vst v63  }
0x99: {  	_ =	swait.ge [sflag:s31], $0x4000  }
0x9a: {  	[sflag:s31] =	ssyncset.done $0x0  }
0x9b: {  	s9 =	simm.s32 $0x200;
	s16 =	simm.s32 $0x880;
	[sflag:s31] =	ssyncadd.s32 $0xFFFFC000  }
.LBB2_6:
0x9c: {  	[tilespmem:s26], [sflag:$0x2] =	stream.indirect.gather [hbm4b:s1+s25], $0x80, s16, s25, $0xb8;
	[tilespmem:$0x1DD00] =	vst v63  }
0x9d: {  	s16 =	smov.u32 s9  }
0x9e: {  	p0 =	sne.s32 s9, $0x1600;
	s9 =	sadd.s32 $0x200, s9;
	_ =	swait.ge [sflag:s28], $0x4000  }
0x9f: {  	s16 =	sshra.s32 s16, $0x2;
	[sflag:s28] =	ssyncset.done $0x0  }
0xa0: {  	s17 =	sadd.s32 $0x1000, s16;
	[sflag:s28] =	ssyncadd.s32 $0xFFFFC000  }
0xa1: {  	[spmem:s2] =	stream.indirect.scatter.add.f32 [tilespmem:s20], [sflag:$0x3], $0x80, s17, s25, $0xb8;
	[tilespmem:$0x1DD00] =	vst v63  }
0xa2: {  	_ =	swait.ge [sflag:s29], $0x4000  }
0xa3: {  	[sflag:s29] =	ssyncset.done $0x0  }
0xa4: {  	s17 =	sadd.s32 $0x80, s16;
	[sflag:s29] =	ssyncadd.s32 $0xFFFFC000  }
0xa5: {  	[tilespmem:s20], [sflag:$0x1] =	stream.indirect.gather [hbm4b:s1+s25], $0x80, s17, s25, $0xb8;
	[tilespmem:$0x1DD00] =	vst v63  }
0xa6: {  	_ =	swait.ge [sflag:s30], $0x4000  }
0xa7: {  	[sflag:s30] =	ssyncset.done $0x0  }
.Ltmp2:
0xa8: {  	s17 =	sadd.s32 $0x1800, s16;
	[sflag:s30] =	ssyncadd.s32 $0xFFFFC000;
	(pc) =	sbr.rel @p0 .LBB2_6-.Ltmp2, $4  }
0xa9: {  	[spmem:s2] =	stream.indirect.scatter.add.f32 [tilespmem:s26], [sflag:$0x4], $0x80, s17, s25, $0xb8;
	[tilespmem:$0x1DD00] =	vst v63  }
0xaa: {  	_ =	swait.ge [sflag:s31], $0x4000  }
0xab: {  	[sflag:s31] =	ssyncset.done $0x0  }
0xac: {  	s16 =	sadd.s32 $0x880, s16;
	[sflag:s31] =	ssyncadd.s32 $0xFFFFC000  }
0xad: {  	[tilespmem:s26], [sflag:$0x2] =	stream.indirect.gather [hbm4b:s1+s25], $0x80, s16, s25, $0xb8;
	[tilespmem:$0x1DD00] =	vst v63  }
0xae: {  	_ =	swait.ge [sflag:s28], $0x4000  }
0xaf: {  	[sflag:s28] =	ssyncset.done $0x0  }
0xb0: {  	[sflag:s28] =	ssyncadd.s32 $0xFFFFC000  }
0xb1: {  	[spmem:s2] =	stream.indirect.scatter.add.f32 [tilespmem:s20], [sflag:$0x3], $0x80, s0, s25, $0xb8;
	[tilespmem:$0x1DD00] =	vst v63  }
0xb2: {  	_ =	swait.ge [sflag:s29], $0x4000  }
0xb3: {  	[sflag:s29] =	ssyncset.done $0x0  }
0xb4: {  	[sflag:s29] =	ssyncadd.s32 $0xFFFFC000  }
0xb5: {  	_ =	swait.ge [sflag:s30], $0x4000  }
0xb6: {  	[sflag:s30] =	ssyncset.done $0x0  }
0xb7: {  	[sflag:s30] =	ssyncadd.s32 $0xFFFFC000  }
0xb8: {  	[spmem:s2] =	stream.indirect.scatter.add.f32 [tilespmem:s26], [sflag:$0x4], $0x80, s3, s25, $0xb8;
	[tilespmem:$0x1DD00] =	vst v63  }
0xb9: {  	_ =	swait.ge [sflag:s31], $0x4000  }
0xba: {  	[sflag:s31] =	ssyncset.done $0x0  }
0xbb: {  	s9 =	simm.s32 $0x0;
	[sflag:s31] =	ssyncadd.s32 $0xFFFFC000  }
0xbc: {  	[tilespmem:s9], [sflag:$0x5] =	stream.linear.gather [hbm4b:s14+s9], $0x680, $0x38;
	[tilespmem:$0x1DD00] =	vst v63  }
0xbd: {  	s17 =	sadd.s32 $0x100, s14  }
0xbe: {  	[tilespmem:s22], [sflag:$0x5] =	stream.linear.gather [hbm4b:s17+s9], $0x680, $0x38;
	[tilespmem:$0x1DD00] =	vst v63  }
0xbf: {  	_ =	swait.ge [sflag:s21], $0xD00  }
0xc0: {  	[sflag:s21] =	ssyncset.done $0x0  }
0xc1: {  	[sflag:s21] =	ssyncadd.s32 $0xFFFFF300  }
0xc2: {  	[tilespmem:s23], [sflag:$0x5] =	stream.linear.gather [hbm4b:s15+s9], $0x680, $0x38;
	[tilespmem:$0x1DD00] =	vst v63  }
0xc3: {  	s17 =	sadd.s32 $0x100, s15  }
0xc4: {  	[tilespmem:s24], [sflag:$0x5] =	stream.linear.gather [hbm4b:s17+s9], $0x680, $0x38;
	[tilespmem:$0x1DD00] =	vst v63  }
0xc5: {  	_ =	swait.ge [sflag:s21], $0xD00  }
0xc6: {  	[sflag:s21] =	ssyncset.done $0x0  }
0xc7: {  	[sflag:s21] =	ssyncadd.s32 $0xFFFFF300  }
0xc8: {  	[tilespmem:s20], [sflag:$0x1] =	stream.indirect.gather [hbm4b:s1+s25], $0x80, s9, s25, $0xb8;
	[tilespmem:$0x1DD00] =	vst v63  }
0xc9: {  	_ = 	snop  }
0xca: {  	[tilespmem:s26], [sflag:$0x2] =	stream.indirect.gather [hbm4b:s1+s25], $0x80, s22, s25, $0xb8;
	[tilespmem:$0x1DD00] =	vst v63  }
0xcb: {  	_ =	swait.ge [sflag:s28], $0x4000  }
0xcc: {  	[sflag:s28] =	ssyncset.done $0x0  }
0xcd: {  	s17 =	simm.s32 $0x1000;
	[sflag:s28] =	ssyncadd.s32 $0xFFFFC000  }
0xce: {  	[spmem:s2] =	stream.indirect.scatter.add.f32 [tilespmem:s20], [sflag:$0x3], $0x80, s17, s25, $0xb8;
	[tilespmem:$0x1DD00] =	vst v63  }
0xcf: {  	_ =	swait.ge [sflag:s29], $0x4000  }
0xd0: {  	[sflag:s29] =	ssyncset.done $0x0  }
0xd1: {  	s16 =	simm.s32 $0x80;
	[sflag:s29] =	ssyncadd.s32 $0xFFFFC000  }
0xd2: {  	[tilespmem:s20], [sflag:$0x1] =	stream.indirect.gather [hbm4b:s1+s25], $0x80, s16, s25, $0xb8;
	[tilespmem:$0x1DD00] =	vst v63  }
0xd3: {  	_ =	swait.ge [sflag:s30], $0x4000  }
0xd4: {  	[sflag:s30] =	ssyncset.done $0x0  }
0xd5: {  	s17 =	simm.s32 $0x1800;
	[sflag:s30] =	ssyncadd.s32 $0xFFFFC000  }
0xd6: {  	[spmem:s2] =	stream.indirect.scatter.add.f32 [tilespmem:s26], [sflag:$0x4], $0x80, s17, s25, $0xb8;
	[tilespmem:$0x1DD00] =	vst v63  }
0xd7: {  	_ =	swait.ge [sflag:s31], $0x4000  }
0xd8: {  	[sflag:s31] =	ssyncset.done $0x0  }
0xd9: {  	s9 =	simm.s32 $0x200;
	s16 =	simm.s32 $0x880;
	[sflag:s31] =	ssyncadd.s32 $0xFFFFC000  }
.LBB2_8:
0xda: {  	[tilespmem:s26], [sflag:$0x2] =	stream.indirect.gather [hbm4b:s1+s25], $0x80, s16, s25, $0xb8;
	[tilespmem:$0x1DD00] =	vst v63  }
0xdb: {  	s16 =	smov.u32 s9  }
0xdc: {  	p0 =	sne.s32 s9, $0x1600;
	s9 =	sadd.s32 $0x200, s9;
	_ =	swait.ge [sflag:s28], $0x4000  }
0xdd: {  	s16 =	sshra.s32 s16, $0x2;
	[sflag:s28] =	ssyncset.done $0x0  }
0xde: {  	s17 =	sadd.s32 $0x1000, s16;
	[sflag:s28] =	ssyncadd.s32 $0xFFFFC000  }
0xdf: {  	[spmem:s2] =	stream.indirect.scatter.add.f32 [tilespmem:s20], [sflag:$0x3], $0x80, s17, s25, $0xb8;
	[tilespmem:$0x1DD00] =	vst v63  }
0xe0: {  	_ =	swait.ge [sflag:s29], $0x4000  }
0xe1: {  	[sflag:s29] =	ssyncset.done $0x0  }
0xe2: {  	s17 =	sadd.s32 $0x80, s16;
	[sflag:s29] =	ssyncadd.s32 $0xFFFFC000  }
0xe3: {  	[tilespmem:s20], [sflag:$0x1] =	stream.indirect.gather [hbm4b:s1+s25], $0x80, s17, s25, $0xb8;
	[tilespmem:$0x1DD00] =	vst v63  }
0xe4: {  	_ =	swait.ge [sflag:s30], $0x4000  }
0xe5: {  	[sflag:s30] =	ssyncset.done $0x0  }
.Ltmp3:
0xe6: {  	s17 =	sadd.s32 $0x1800, s16;
	[sflag:s30] =	ssyncadd.s32 $0xFFFFC000;
	(pc) =	sbr.rel @p0 .LBB2_8-.Ltmp3, $4  }
0xe7: {  	[spmem:s2] =	stream.indirect.scatter.add.f32 [tilespmem:s26], [sflag:$0x4], $0x80, s17, s25, $0xb8;
	[tilespmem:$0x1DD00] =	vst v63  }
0xe8: {  	_ =	swait.ge [sflag:s31], $0x4000  }
0xe9: {  	[sflag:s31] =	ssyncset.done $0x0  }
0xea: {  	s16 =	sadd.s32 $0x880, s16;
	[sflag:s31] =	ssyncadd.s32 $0xFFFFC000  }
0xeb: {  	[tilespmem:s26], [sflag:$0x2] =	stream.indirect.gather [hbm4b:s1+s25], $0x80, s16, s25, $0xb8;
	[tilespmem:$0x1DD00] =	vst v63  }
0xec: {  	_ =	swait.ge [sflag:s28], $0x4000  }
0xed: {  	[sflag:s28] =	ssyncset.done $0x0  }
0xee: {  	[sflag:s28] =	ssyncadd.s32 $0xFFFFC000  }
0xef: {  	[spmem:s2] =	stream.indirect.scatter.add.f32 [tilespmem:s20], [sflag:$0x3], $0x80, s0, s25, $0xb8;
	[tilespmem:$0x1DD00] =	vst v63  }
0xf0: {  	_ =	swait.ge [sflag:s29], $0x4000  }
0xf1: {  	[sflag:s29] =	ssyncset.done $0x0  }
0xf2: {  	[sflag:s29] =	ssyncadd.s32 $0xFFFFC000  }
0xf3: {  	_ =	swait.ge [sflag:s30], $0x4000  }
0xf4: {  	[sflag:s30] =	ssyncset.done $0x0  }
0xf5: {  	[sflag:s30] =	ssyncadd.s32 $0xFFFFC000  }
0xf6: {  	[spmem:s2] =	stream.indirect.scatter.add.f32 [tilespmem:s26], [sflag:$0x4], $0x80, s3, s25, $0xb8;
	[tilespmem:$0x1DD00] =	vst v63  }
0xf7: {  	_ =	swait.ge [sflag:s31], $0x4000  }
0xf8: {  	[sflag:s31] =	ssyncset.done $0x0  }
0xf9: {  	s9 =	simm.s32 $0x0;
	s17 =	rddreg [dreg:$0x8];
	[sflag:s31] =	ssyncadd.s32 $0xFFFFC000  }
0xfa: {  	[tilespmem:s4], [sflag:$0x5] =	stream.linear.gather [hbm4b:s17+s9], $0x80, $0x38;
	[tilespmem:$0x1DD00] =	vst v63  }
0xfb: {  	_ =	swait.ge [sflag:s21], $0x80  }
0xfc: {  	[sflag:s21] =	ssyncset.done $0x0  }
0xfd: {  	s17 =	rddreg [dreg:$0x9];
	[sflag:s21] =	ssyncadd.s32 $0xFFFFFF80  }
0xfe: {  	[tilespmem:s6], [sflag:$0x5] =	stream.linear.gather [hbm4b:s17+s9], $0x80, $0x38;
	[tilespmem:$0x1DD00] =	vst v63  }
0xff: {  	_ =	swait.ge [sflag:s21], $0x80  }
0x100: {  	[sflag:s21] =	ssyncset.done $0x0  }
0x101: {  	[sflag:s21] =	ssyncadd.s32 $0xFFFFFF80  }
0x102: {  	[tilespmem:s20], [sflag:$0x1] =	stream.indirect.gather [hbm4b:s1+s7], $0x80, s4, s7, $0xb8;
	[tilespmem:$0x1DD00] =	vst v63  }
0x103: {  	_ =	swait.ge [sflag:s28], $0x800  }
0x104: {  	[sflag:s28] =	ssyncset.done $0x0  }
0x105: {  	[sflag:s28] =	ssyncadd.s32 $0xFFFFF800  }
0x106: {  	[spmem:s2] =	stream.indirect.scatter.add.f32 [tilespmem:s20], [sflag:$0x5], $0x80, s6, s7, $0xb8;
	[tilespmem:$0x1DD00] =	vst v63  }
0x107: {  	s8 =	sadd.s32 $0x1, s8;
	_ =	swait.ge [sflag:s21], $0x800  }
0x108: {  	s16 =	stileid.u32;
	p0 =	sne.s32 s8, s19;
	[sflag:s21] =	ssyncset.done $0x0  }
0x109: {  	s9 =	sshll.u32 s16, $0x6;
	s17 =	sshrl.u32 s5, $0x3;
	[sflag:s21] =	ssyncadd.s32 $0xFFFFF800  }
.Ltmp4:
0x10a: {  	s9 =	sor.u32 $0x1C05, s9;
	[bflag:$0x0] =	sbarrier.arrive $0xFFFF;
	(pc) =	sbr.rel @p0 .LBB2_1-.Ltmp4, $4  }
0x10b: {  	[hbm:s18], [sflag:s9] =	dma.local [spmem:s17], $0x2780  }
0x10c: {  	_ =	swait.ge [sflag:s21], $0x2780  }
0x10d: {  	[sflag:s21] =	ssyncset.done $0x0  }
0x10e: {  	[sflag:s21] =	ssyncadd.s32 $0xFFFFD880  }
0x10f: {  	_ =	sfence.sel $0x180000  }
0x110: {  	[bflag:$0x0] =	sbarrier.arrive $0xFFFF  }
0x111: {  	_ =	strace $0x9000004A  }
0x112: {  	s0 =	stileid.u32;
	[bflag:$0x2] =	sbarrier.arrive $0xFFFF  }
0x113: {  	p0 =	sne.s32 s0, $0x0;
	s0 =	rddreg [dreg:$0x3]  }
0x114: {  	s0 =	sadd.s32 @!p0 $0x100000, s0  }
0x115: {  	[sflag:s0] =	ssyncadd.tile.s32 @!p0 $0x1;
	_ =	shalt  }
.Lfunc_end2:
_tile_overlayer_lowered:
.L_overlay_start_2:
0x116: {  	(tag) =	ssettag $0x2  }
0x117: {  	s0 =	rddreg [dreg:$0x0];
	s2 =	stileid.u32  }
0x118: {  	s1 =	rddreg [dreg:$0x1];
	p0 =	sne.s32 s2, $0x0  }
0x119: {  	s3 =	rddreg [dreg:$0x2];
	[bflag:$0x3] =	sbarrier.arrive $0xFFFF;
	s2 =	simm.s32 @!p0 $0x1C05  }
0x11a: {  	[timem:s3], [sflag:s2] =	dma.local @!p0 [hbm:s0], s1  }
0x11b: {  	s0 =	simm.s32 @!p0 $0x5  }
0x11c: {  	_ =	swait.ge @!p0 [sflag:s0], s1  }
0x11d: {  	s1 =	ssub.s32 @!p0 $0x0, s1;
	[sflag:s0] =	ssyncset.done @!p0 $0x0  }
0x11e: {  	[sflag:s0] =	ssyncadd.s32 @!p0 s1  }
0x11f: {  	[bflag:$0x3] =	sbarrier.arrive $0xFFFF  }
0x120: {  	_ =	shalt  }

</sc_bundles>
